<compile_context>
chip_gen: v7x
topology: tpu7x:2x2x1
jax: 0.10.2.dev20260603
libtpu: 0.0.44.dev20260713+nightly
codegen_flags: <defaults>
</compile_context>

<pallas_src>
import functools

import jax
import jax.numpy as jnp
from jax import lax
from jax.experimental import pallas as pl
from jax.experimental.pallas import tpu as pltpu, tpu_sc as plsc

_E_TOTAL = 2 * 160000
_NWORK = 25
_PER_W = 160000 // _NWORK
_VECS = _PER_W // 16


def _pool_body(x_ref, o0, o1, o2, o3, o4):
    def pool(t):
        n = t.shape[0]
        m = t.reshape(n // 2, 512)
        return (m[:, :256] + m[:, 256:]) * 0.5

    v = x_ref[...]
    o0[...] = v
    p1 = pool(v)
    p2 = pool(p1)
    p3 = pool(p2)
    p4 = pool(p3)
    o1[...] = p1
    o2[...] = p2
    o3[...] = p3
    o4[...] = p4


def _make_edge_sc():
    mesh = plsc.VectorSubcoreMesh(core_axis_name="c", subcore_axis_name="s")

    @functools.partial(
        pl.kernel,
        mesh=mesh,
        out_type=[jax.ShapeDtypeStruct((2, 160000), jnp.int32)] * 5,
        scratch_types=[pltpu.VMEM((2, _PER_W), jnp.int32) for _ in range(5)],
    )
    def edge_sc(e_hbm, o0_hbm, o1_hbm, o2_hbm, o3_hbm, o4_hbm,
                buf, b1, b2, b3, b4):
        wid = lax.axis_index("s") * 2 + lax.axis_index("c")

        @pl.when(wid < _NWORK)
        def _():
            sl = pl.ds(wid * _PER_W, _PER_W)
            pltpu.sync_copy(e_hbm.at[:, sl], buf)

            def row_body(r):
                def body(i, carry):
                    s = pl.ds(i * 16, 16)
                    v = buf[r, s]
                    b1[r, s] = v >> 1
                    b2[r, s] = v >> 2
                    b3[r, s] = v >> 3
                    b4[r, s] = v >> 4
                    return carry
                lax.fori_loop(0, _VECS, body, 0, unroll=8)

            row_body(0)
            row_body(1)
            pltpu.sync_copy(buf, o0_hbm.at[:, sl])
            pltpu.sync_copy(b1, o1_hbm.at[:, sl])
            pltpu.sync_copy(b2, o2_hbm.at[:, sl])
            pltpu.sync_copy(b3, o3_hbm.at[:, sl])
            pltpu.sync_copy(b4, o4_hbm.at[:, sl])

    return edge_sc


def kernel(x, edge_index):
    e0, e1, e2, e3, e4 = _make_edge_sc()(edge_index)

    x0, x1, x2, x3, x4 = pl.pallas_call(
        _pool_body,
        out_shape=[
            jax.ShapeDtypeStruct((10000, 256), jnp.float32),
            jax.ShapeDtypeStruct((5000, 256), jnp.float32),
            jax.ShapeDtypeStruct((2500, 256), jnp.float32),
            jax.ShapeDtypeStruct((1250, 256), jnp.float32),
            jax.ShapeDtypeStruct((625, 256), jnp.float32),
        ],
    )(x)

    return (x0, x1, x2, x3, x4, e0, e1, e2, e3, e4)

# --- scband reference (transcript-rebuilt; emitter-appended) ---
"""Pipeline reference for scband-recursive-cluster-pooling-15925738734399 (READ-ONLY COPY).

The authoritative reference and input builder live on the scoring server;
editing this copy changes nothing except your own understanding.
"""

import jax, jax.numpy as jnp
import numpy as np

N_NODES = 10000
N_EDGES = 160000
D_FEAT = 256
N_LEVELS = 5


def cluster_pool(x, edge_index):
    """One level of deterministic cluster pooling: pair consecutive nodes
    (cluster id = node_id // 2), mean-pool features per cluster, and remap
    edge endpoints to cluster ids."""
    n = x.shape[0]
    new_n = (n + 1) // 2
    cluster = jnp.arange(n, dtype=jnp.int32) // 2
    pooled = jax.ops.segment_sum(x, cluster, num_segments=new_n)
    counts = jax.ops.segment_sum(jnp.ones((n,), dtype=x.dtype), cluster, num_segments=new_n)
    pooled = pooled / jnp.maximum(counts, 1.0)[:, None]
    new_edge_index = cluster[edge_index]
    return pooled, new_edge_index


def setup_inputs(seed: int = 0) -> dict:
    key = jax.random.key(seed)
    k1, k2 = jax.random.split(key)
    x = jax.random.normal(k1, (N_NODES, D_FEAT), dtype=jnp.float32)
    edge_index = jax.random.randint(k2, (2, N_EDGES), 0, N_NODES, dtype=jnp.int32)
    return {"x": x, "edge_index": edge_index}


def reference(x, edge_index):
    """Faithful translation of RecursiveClusterPooling.forward: builds the
    multigraph (list of coarsened graphs). Returns a flat tuple
    (x_0, ..., x_{L-1}, edge_index_0, ..., edge_index_{L-1})."""
    xs = [x]
    es = [edge_index]
    for _ in range(N_LEVELS - 1):
        x, edge_index = cluster_pool(x, edge_index)
        xs.append(x)
        es.append(edge_index)
    return tuple(xs) + tuple(es)

if __name__ == "__main__":
    import jax
    _d = setup_inputs()
    print(jax.jit(kernel)(*tuple(_d.values())))

</pallas_src>

<mosaic_0001>
#map = affine_map<(d0, d1) -> (0, 0)>
module attributes {stable_mosaic.version = 14 : i64} {
  func.func @edge_sc(%arg0: i32, %arg1: i32, %arg2: memref<2x160000xi32, #tpu.memory_space<hbm>>, %arg3: memref<2x160000xi32, #tpu.memory_space<hbm>>, %arg4: memref<2x160000xi32, #tpu.memory_space<hbm>>, %arg5: memref<2x160000xi32, #tpu.memory_space<hbm>>, %arg6: memref<2x160000xi32, #tpu.memory_space<hbm>>, %arg7: memref<2x160000xi32, #tpu.memory_space<hbm>>, %arg8: memref<2x6400xi32, #tpu.memory_space<vmem>>, %arg9: memref<2x6400xi32, #tpu.memory_space<vmem>>, %arg10: memref<2x6400xi32, #tpu.memory_space<vmem>>, %arg11: memref<2x6400xi32, #tpu.memory_space<vmem>>, %arg12: memref<2x6400xi32, #tpu.memory_space<vmem>>) attributes {dimension_semantics = [#tpu.dimension_semantics<core_parallel>, #tpu.dimension_semantics<subcore_parallel>], iteration_bounds = array<i64: 2, 16>, scalar_prefetch = 0 : i64, scratch_operands = 5 : i64, tpu.core_type = #tpu.core_type<sc_vector_subcore>, window_params = [{transform_indices = #map}, {transform_indices = #map}, {transform_indices = #map}, {transform_indices = #map}, {transform_indices = #map}, {transform_indices = #map}]} {
    %mul3A = arith.constant 2 : i32
    %mul3A_0 = arith.muli %arg1, %mul3A : i32
    %add3A = arith.addi %mul3A_0, %arg0 : i32
    %lt3A = arith.constant 25 : i32
    %lt3A_1 = arith.cmpi slt, %add3A, %lt3A : i32
    %convert_element_type3A = arith.extui %lt3A_1 : i1 to i32
    %cond3A = arith.constant 0 : i32
    %cond3A_2 = arith.cmpi ne, %convert_element_type3A, %cond3A : i32
    scf.if %cond3A_2 {
      %mul3A_3 = arith.constant 6400 : i32
      %mul3A_4 = arith.muli %add3A, %mul3A_3 : i32
      "tpu.region"() ({
        %run_scoped3A = tpu.sem_alloc : memref<!tpu.dma_semaphore, #tpu.memory_space<semaphore_mem>>
        %dma_start3A = arith.constant 0 : i32
        %dma_start3A_16 = tpu.memref_slice %arg2[%dma_start3A, %mul3A_4] : memref<2x160000xi32, #tpu.memory_space<hbm>> -> memref<2x6400xi32, #tpu.memory_space<hbm>>
        %dma_start3A_17 = arith.constant 0 : i32
        %dma_start3A_18 = tpu.memref_slice %arg2[%dma_start3A_17, %mul3A_4] : memref<2x160000xi32, #tpu.memory_space<hbm>> -> memref<2x6400xi32, #tpu.memory_space<hbm>>
        tpu.enqueue_dma source(%dma_start3A_18 : memref<2x6400xi32, #tpu.memory_space<hbm>>) target(%arg8 : memref<2x6400xi32, #tpu.memory_space<vmem>>) target_semaphore(%run_scoped3A : memref<!tpu.dma_semaphore, #tpu.memory_space<semaphore_mem>>)
        %dma_wait3A = arith.constant 0 : i32
        %dma_wait3A_19 = tpu.memref_slice %arg2[%dma_wait3A, %mul3A_4] : memref<2x160000xi32, #tpu.memory_space<hbm>> -> memref<2x6400xi32, #tpu.memory_space<hbm>>
        %dma_wait3A_20 = arith.constant 0 : i32
        %dma_wait3A_21 = tpu.memref_slice %arg2[%dma_wait3A_20, %mul3A_4] : memref<2x160000xi32, #tpu.memory_space<hbm>> -> memref<2x6400xi32, #tpu.memory_space<hbm>>
        tpu.wait_dma2 semaphore(%run_scoped3A : memref<!tpu.dma_semaphore, #tpu.memory_space<semaphore_mem>>) src(%dma_wait3A_21 : memref<2x6400xi32, #tpu.memory_space<hbm>>) dst(%arg8 : memref<2x6400xi32, #tpu.memory_space<vmem>>)
        tpu.yield
      }) : () -> ()
      %scan3A = arith.constant 0 : i32
      %scan3A_5 = arith.constant 0 : i32
      %scan3A_6 = arith.constant 400 : i32
      %scan3A_7 = arith.addi %scan3A_5, %scan3A_6 : i32
      %scan3A_8 = arith.constant 8 : i32
      scf.for %scan3A_16 = %scan3A_5 to %scan3A_7 step %scan3A_8  : i32 {
        %mul3A_17 = arith.constant 16 : i32
        %mul3A_18 = arith.muli %scan3A_16, %mul3A_17 : i32
        %get3A = arith.constant 0 : i32
        %get3A_19 = arith.index_cast %get3A : i32 to index
        %get3A_20 = arith.index_cast %mul3A_18 : i32 to index
        %get3A_21 = tpu.vector_load %arg8[%get3A_19, %get3A_20] {strides = array<i32>} : memref<2x6400xi32, #tpu.memory_space<vmem>>, vector<1x16xi32>,
        %get3A_22 = vector.shape_cast %get3A_21 : vector<1x16xi32> to vector<16xi32>
        %shift_right_arithmetic3A = arith.constant 1 : i32
        %shift_right_arithmetic3A_23 = vector.broadcast %shift_right_arithmetic3A : i32 to vector<16xi32>
        %shift_right_arithmetic3A_24 = arith.shrsi %get3A_22, %shift_right_arithmetic3A_23 : vector<16xi32>
        %swap3A = arith.constant 0 : i32
        %swap3A_25 = arith.index_cast %swap3A : i32 to index
        %swap3A_26 = arith.index_cast %mul3A_18 : i32 to index
        %swap3A_27 = tpu.vector_load %arg9[%swap3A_25, %swap3A_26] {strides = array<i32>} : memref<2x6400xi32, #tpu.memory_space<vmem>>, vector<1x16xi32>,
        %swap3A_28 = vector.shape_cast %swap3A_27 : vector<1x16xi32> to vector<16xi32>
        %swap3A_29 = vector.shape_cast %shift_right_arithmetic3A_24 : vector<16xi32> to vector<1x16xi32>
        tpu.vector_store %arg9[%swap3A_25, %swap3A_26], %swap3A_29 {strides = array<i32>} : memref<2x6400xi32, #tpu.memory_space<vmem>>, vector<1x16xi32>,
        %shift_right_arithmetic3A_30 = arith.constant 2 : i32
        %shift_right_arithmetic3A_31 = vector.broadcast %shift_right_arithmetic3A_30 : i32 to vector<16xi32>
        %shift_right_arithmetic3A_32 = arith.shrsi %get3A_22, %shift_right_arithmetic3A_31 : vector<16xi32>
        %swap3A_33 = arith.constant 0 : i32
        %swap3A_34 = arith.index_cast %swap3A_33 : i32 to index
        %swap3A_35 = arith.index_cast %mul3A_18 : i32 to index
        %swap3A_36 = tpu.vector_load %arg10[%swap3A_34, %swap3A_35] {strides = array<i32>} : memref<2x6400xi32, #tpu.memory_space<vmem>>, vector<1x16xi32>,
        %swap3A_37 = vector.shape_cast %swap3A_36 : vector<1x16xi32> to vector<16xi32>
        %swap3A_38 = vector.shape_cast %shift_right_arithmetic3A_32 : vector<16xi32> to vector<1x16xi32>
        tpu.vector_store %arg10[%swap3A_34, %swap3A_35], %swap3A_38 {strides = array<i32>} : memref<2x6400xi32, #tpu.memory_space<vmem>>, vector<1x16xi32>,
        %shift_right_arithmetic3A_39 = arith.constant 3 : i32
        %shift_right_arithmetic3A_40 = vector.broadcast %shift_right_arithmetic3A_39 : i32 to vector<16xi32>
        %shift_right_arithmetic3A_41 = arith.shrsi %get3A_22, %shift_right_arithmetic3A_40 : vector<16xi32>
        %swap3A_42 = arith.constant 0 : i32
        %swap3A_43 = arith.index_cast %swap3A_42 : i32 to index
        %swap3A_44 = arith.index_cast %mul3A_18 : i32 to index
        %swap3A_45 = tpu.vector_load %arg11[%swap3A_43, %swap3A_44] {strides = array<i32>} : memref<2x6400xi32, #tpu.memory_space<vmem>>, vector<1x16xi32>,
        %swap3A_46 = vector.shape_cast %swap3A_45 : vector<1x16xi32> to vector<16xi32>
        %swap3A_47 = vector.shape_cast %shift_right_arithmetic3A_41 : vector<16xi32> to vector<1x16xi32>
        tpu.vector_store %arg11[%swap3A_43, %swap3A_44], %swap3A_47 {strides = array<i32>} : memref<2x6400xi32, #tpu.memory_space<vmem>>, vector<1x16xi32>,
        %shift_right_arithmetic3A_48 = arith.constant 4 : i32
        %shift_right_arithmetic3A_49 = vector.broadcast %shift_right_arithmetic3A_48 : i32 to vector<16xi32>
        %shift_right_arithmetic3A_50 = arith.shrsi %get3A_22, %shift_right_arithmetic3A_49 : vector<16xi32>
        %swap3A_51 = arith.constant 0 : i32
        %swap3A_52 = arith.index_cast %swap3A_51 : i32 to index
        %swap3A_53 = arith.index_cast %mul3A_18 : i32 to index
        %swap3A_54 = tpu.vector_load %arg12[%swap3A_52, %swap3A_53] {strides = array<i32>} : memref<2x6400xi32, #tpu.memory_space<vmem>>, vector<1x16xi32>,
        %swap3A_55 = vector.shape_cast %swap3A_54 : vector<1x16xi32> to vector<16xi32>
        %swap3A_56 = vector.shape_cast %shift_right_arithmetic3A_50 : vector<16xi32> to vector<1x16xi32>
        tpu.vector_store %arg12[%swap3A_52, %swap3A_53], %swap3A_56 {strides = array<i32>} : memref<2x6400xi32, #tpu.memory_space<vmem>>, vector<1x16xi32>,
        %scan3A_57 = arith.constant 1 : i32
        %scan3A_58 = arith.addi %scan3A_16, %scan3A_57 : i32
        %mul3A_59 = arith.constant 16 : i32
        %mul3A_60 = arith.muli %scan3A_58, %mul3A_59 : i32
        %get3A_61 = arith.constant 0 : i32
        %get3A_62 = arith.index_cast %get3A_61 : i32 to index
        %get3A_63 = arith.index_cast %mul3A_60 : i32 to index
        %get3A_64 = tpu.vector_load %arg8[%get3A_62, %get3A_63] {strides = array<i32>} : memref<2x6400xi32, #tpu.memory_space<vmem>>, vector<1x16xi32>,
        %get3A_65 = vector.shape_cast %get3A_64 : vector<1x16xi32> to vector<16xi32>
        %shift_right_arithmetic3A_66 = arith.constant 1 : i32
        %shift_right_arithmetic3A_67 = vector.broadcast %shift_right_arithmetic3A_66 : i32 to vector<16xi32>
        %shift_right_arithmetic3A_68 = arith.shrsi %get3A_65, %shift_right_arithmetic3A_67 : vector<16xi32>
        %swap3A_69 = arith.constant 0 : i32
        %swap3A_70 = arith.index_cast %swap3A_69 : i32 to index
        %swap3A_71 = arith.index_cast %mul3A_60 : i32 to index
        %swap3A_72 = tpu.vector_load %arg9[%swap3A_70, %swap3A_71] {strides = array<i32>} : memref<2x6400xi32, #tpu.memory_space<vmem>>, vector<1x16xi32>,
        %swap3A_73 = vector.shape_cast %swap3A_72 : vector<1x16xi32> to vector<16xi32>
        %swap3A_74 = vector.shape_cast %shift_right_arithmetic3A_68 : vector<16xi32> to vector<1x16xi32>
        tpu.vector_store %arg9[%swap3A_70, %swap3A_71], %swap3A_74 {strides = array<i32>} : memref<2x6400xi32, #tpu.memory_space<vmem>>, vector<1x16xi32>,
        %shift_right_arithmetic3A_75 = arith.constant 2 : i32
        %shift_right_arithmetic3A_76 = vector.broadcast %shift_right_arithmetic3A_75 : i32 to vector<16xi32>
        %shift_right_arithmetic3A_77 = arith.shrsi %get3A_65, %shift_right_arithmetic3A_76 : vector<16xi32>
        %swap3A_78 = arith.constant 0 : i32
        %swap3A_79 = arith.index_cast %swap3A_78 : i32 to index
        %swap3A_80 = arith.index_cast %mul3A_60 : i32 to index
        %swap3A_81 = tpu.vector_load %arg10[%swap3A_79, %swap3A_80] {strides = array<i32>} : memref<2x6400xi32, #tpu.memory_space<vmem>>, vector<1x16xi32>,
        %swap3A_82 = vector.shape_cast %swap3A_81 : vector<1x16xi32> to vector<16xi32>
        %swap3A_83 = vector.shape_cast %shift_right_arithmetic3A_77 : vector<16xi32> to vector<1x16xi32>
        tpu.vector_store %arg10[%swap3A_79, %swap3A_80], %swap3A_83 {strides = array<i32>} : memref<2x6400xi32, #tpu.memory_space<vmem>>, vector<1x16xi32>,
        %shift_right_arithmetic3A_84 = arith.constant 3 : i32
        %shift_right_arithmetic3A_85 = vector.broadcast %shift_right_arithmetic3A_84 : i32 to vector<16xi32>
        %shift_right_arithmetic3A_86 = arith.shrsi %get3A_65, %shift_right_arithmetic3A_85 : vector<16xi32>
        %swap3A_87 = arith.constant 0 : i32
        %swap3A_88 = arith.index_cast %swap3A_87 : i32 to index
        %swap3A_89 = arith.index_cast %mul3A_60 : i32 to index
        %swap3A_90 = tpu.vector_load %arg11[%swap3A_88, %swap3A_89] {strides = array<i32>} : memref<2x6400xi32, #tpu.memory_space<vmem>>, vector<1x16xi32>,
        %swap3A_91 = vector.shape_cast %swap3A_90 : vector<1x16xi32> to vector<16xi32>
        %swap3A_92 = vector.shape_cast %shift_right_arithmetic3A_86 : vector<16xi32> to vector<1x16xi32>
        tpu.vector_store %arg11[%swap3A_88, %swap3A_89], %swap3A_92 {strides = array<i32>} : memref<2x6400xi32, #tpu.memory_space<vmem>>, vector<1x16xi32>,
        %shift_right_arithmetic3A_93 = arith.constant 4 : i32
        %shift_right_arithmetic3A_94 = vector.broadcast %shift_right_arithmetic3A_93 : i32 to vector<16xi32>
        %shift_right_arithmetic3A_95 = arith.shrsi %get3A_65, %shift_right_arithmetic3A_94 : vector<16xi32>
        %swap3A_96 = arith.constant 0 : i32
        %swap3A_97 = arith.index_cast %swap3A_96 : i32 to index
        %swap3A_98 = arith.index_cast %mul3A_60 : i32 to index
        %swap3A_99 = tpu.vector_load %arg12[%swap3A_97, %swap3A_98] {strides = array<i32>} : memref<2x6400xi32, #tpu.memory_space<vmem>>, vector<1x16xi32>,
        %swap3A_100 = vector.shape_cast %swap3A_99 : vector<1x16xi32> to vector<16xi32>
        %swap3A_101 = vector.shape_cast %shift_right_arithmetic3A_95 : vector<16xi32> to vector<1x16xi32>
        tpu.vector_store %arg12[%swap3A_97, %swap3A_98], %swap3A_101 {strides = array<i32>} : memref<2x6400xi32, #tpu.memory_space<vmem>>, vector<1x16xi32>,
        %scan3A_102 = arith.constant 2 : i32
        %scan3A_103 = arith.addi %scan3A_16, %scan3A_102 : i32
        %mul3A_104 = arith.constant 16 : i32
        %mul3A_105 = arith.muli %scan3A_103, %mul3A_104 : i32
        %get3A_106 = arith.constant 0 : i32
        %get3A_107 = arith.index_cast %get3A_106 : i32 to index
        %get3A_108 = arith.index_cast %mul3A_105 : i32 to index
        %get3A_109 = tpu.vector_load %arg8[%get3A_107, %get3A_108] {strides = array<i32>} : memref<2x6400xi32, #tpu.memory_space<vmem>>, vector<1x16xi32>,
        %get3A_110 = vector.shape_cast %get3A_109 : vector<1x16xi32> to vector<16xi32>
        %shift_right_arithmetic3A_111 = arith.constant 1 : i32
        %shift_right_arithmetic3A_112 = vector.broadcast %shift_right_arithmetic3A_111 : i32 to vector<16xi32>
        %shift_right_arithmetic3A_113 = arith.shrsi %get3A_110, %shift_right_arithmetic3A_112 : vector<16xi32>
        %swap3A_114 = arith.constant 0 : i32
        %swap3A_115 = arith.index_cast %swap3A_114 : i32 to index
        %swap3A_116 = arith.index_cast %mul3A_105 : i32 to index
        %swap3A_117 = tpu.vector_load %arg9[%swap3A_115, %swap3A_116] {strides = array<i32>} : memref<2x6400xi32, #tpu.memory_space<vmem>>, vector<1x16xi32>,
        %swap3A_118 = vector.shape_cast %swap3A_117 : vector<1x16xi32> to vector<16xi32>
        %swap3A_119 = vector.shape_cast %shift_right_arithmetic3A_113 : vector<16xi32> to vector<1x16xi32>
        tpu.vector_store %arg9[%swap3A_115, %swap3A_116], %swap3A_119 {strides = array<i32>} : memref<2x6400xi32, #tpu.memory_space<vmem>>, vector<1x16xi32>,
        %shift_right_arithmetic3A_120 = arith.constant 2 : i32
        %shift_right_arithmetic3A_121 = vector.broadcast %shift_right_arithmetic3A_120 : i32 to vector<16xi32>
        %shift_right_arithmetic3A_122 = arith.shrsi %get3A_110, %shift_right_arithmetic3A_121 : vector<16xi32>
        %swap3A_123 = arith.constant 0 : i32
        %swap3A_124 = arith.index_cast %swap3A_123 : i32 to index
        %swap3A_125 = arith.index_cast %mul3A_105 : i32 to index
        %swap3A_126 = tpu.vector_load %arg10[%swap3A_124, %swap3A_125] {strides = array<i32>} : memref<2x6400xi32, #tpu.memory_space<vmem>>, vector<1x16xi32>,
        %swap3A_127 = vector.shape_cast %swap3A_126 : vector<1x16xi32> to vector<16xi32>
        %swap3A_128 = vector.shape_cast %shift_right_arithmetic3A_122 : vector<16xi32> to vector<1x16xi32>
        tpu.vector_store %arg10[%swap3A_124, %swap3A_125], %swap3A_128 {strides = array<i32>} : memref<2x6400xi32, #tpu.memory_space<vmem>>, vector<1x16xi32>,
        %shift_right_arithmetic3A_129 = arith.constant 3 : i32
        %shift_right_arithmetic3A_130 = vector.broadcast %shift_right_arithmetic3A_129 : i32 to vector<16xi32>
        %shift_right_arithmetic3A_131 = arith.shrsi %get3A_110, %shift_right_arithmetic3A_130 : vector<16xi32>
        %swap3A_132 = arith.constant 0 : i32
        %swap3A_133 = arith.index_cast %swap3A_132 : i32 to index
        %swap3A_134 = arith.index_cast %mul3A_105 : i32 to index
        %swap3A_135 = tpu.vector_load %arg11[%swap3A_133, %swap3A_134] {strides = array<i32>} : memref<2x6400xi32, #tpu.memory_space<vmem>>, vector<1x16xi32>,
        %swap3A_136 = vector.shape_cast %swap3A_135 : vector<1x16xi32> to vector<16xi32>
        %swap3A_137 = vector.shape_cast %shift_right_arithmetic3A_131 : vector<16xi32> to vector<1x16xi32>
        tpu.vector_store %arg11[%swap3A_133, %swap3A_134], %swap3A_137 {strides = array<i32>} : memref<2x6400xi32, #tpu.memory_space<vmem>>, vector<1x16xi32>,
        %shift_right_arithmetic3A_138 = arith.constant 4 : i32
        %shift_right_arithmetic3A_139 = vector.broadcast %shift_right_arithmetic3A_138 : i32 to vector<16xi32>
        %shift_right_arithmetic3A_140 = arith.shrsi %get3A_110, %shift_right_arithmetic3A_139 : vector<16xi32>
        %swap3A_141 = arith.constant 0 : i32
        %swap3A_142 = arith.index_cast %swap3A_141 : i32 to index
        %swap3A_143 = arith.index_cast %mul3A_105 : i32 to index
        %swap3A_144 = tpu.vector_load %arg12[%swap3A_142, %swap3A_143] {strides = array<i32>} : memref<2x6400xi32, #tpu.memory_space<vmem>>, vector<1x16xi32>,
        %swap3A_145 = vector.shape_cast %swap3A_144 : vector<1x16xi32> to vector<16xi32>
        %swap3A_146 = vector.shape_cast %shift_right_arithmetic3A_140 : vector<16xi32> to vector<1x16xi32>
        tpu.vector_store %arg12[%swap3A_142, %swap3A_143], %swap3A_146 {strides = array<i32>} : memref<2x6400xi32, #tpu.memory_space<vmem>>, vector<1x16xi32>,
        %scan3A_147 = arith.constant 3 : i32
        %scan3A_148 = arith.addi %scan3A_16, %scan3A_147 : i32
        %mul3A_149 = arith.constant 16 : i32
        %mul3A_150 = arith.muli %scan3A_148, %mul3A_149 : i32
        %get3A_151 = arith.constant 0 : i32
        %get3A_152 = arith.index_cast %get3A_151 : i32 to index
        %get3A_153 = arith.index_cast %mul3A_150 : i32 to index
        %get3A_154 = tpu.vector_load %arg8[%get3A_152, %get3A_153] {strides = array<i32>} : memref<2x6400xi32, #tpu.memory_space<vmem>>, vector<1x16xi32>,
        %get3A_155 = vector.shape_cast %get3A_154 : vector<1x16xi32> to vector<16xi32>
        %shift_right_arithmetic3A_156 = arith.constant 1 : i32
        %shift_right_arithmetic3A_157 = vector.broadcast %shift_right_arithmetic3A_156 : i32 to vector<16xi32>
        %shift_right_arithmetic3A_158 = arith.shrsi %get3A_155, %shift_right_arithmetic3A_157 : vector<16xi32>
        %swap3A_159 = arith.constant 0 : i32
        %swap3A_160 = arith.index_cast %swap3A_159 : i32 to index
        %swap3A_161 = arith.index_cast %mul3A_150 : i32 to index
        %swap3A_162 = tpu.vector_load %arg9[%swap3A_160, %swap3A_161] {strides = array<i32>} : memref<2x6400xi32, #tpu.memory_space<vmem>>, vector<1x16xi32>,
        %swap3A_163 = vector.shape_cast %swap3A_162 : vector<1x16xi32> to vector<16xi32>
        %swap3A_164 = vector.shape_cast %shift_right_arithmetic3A_158 : vector<16xi32> to vector<1x16xi32>
        tpu.vector_store %arg9[%swap3A_160, %swap3A_161], %swap3A_164 {strides = array<i32>} : memref<2x6400xi32, #tpu.memory_space<vmem>>, vector<1x16xi32>,
        %shift_right_arithmetic3A_165 = arith.constant 2 : i32
        %shift_right_arithmetic3A_166 = vector.broadcast %shift_right_arithmetic3A_165 : i32 to vector<16xi32>
        %shift_right_arithmetic3A_167 = arith.shrsi %get3A_155, %shift_right_arithmetic3A_166 : vector<16xi32>
        %swap3A_168 = arith.constant 0 : i32
        %swap3A_169 = arith.index_cast %swap3A_168 : i32 to index
        %swap3A_170 = arith.index_cast %mul3A_150 : i32 to index
        %swap3A_171 = tpu.vector_load %arg10[%swap3A_169, %swap3A_170] {strides = array<i32>} : memref<2x6400xi32, #tpu.memory_space<vmem>>, vector<1x16xi32>,
        %swap3A_172 = vector.shape_cast %swap3A_171 : vector<1x16xi32> to vector<16xi32>
        %swap3A_173 = vector.shape_cast %shift_right_arithmetic3A_167 : vector<16xi32> to vector<1x16xi32>
        tpu.vector_store %arg10[%swap3A_169, %swap3A_170], %swap3A_173 {strides = array<i32>} : memref<2x6400xi32, #tpu.memory_space<vmem>>, vector<1x16xi32>,
        %shift_right_arithmetic3A_174 = arith.constant 3 : i32
        %shift_right_arithmetic3A_175 = vector.broadcast %shift_right_arithmetic3A_174 : i32 to vector<16xi32>
        %shift_right_arithmetic3A_176 = arith.shrsi %get3A_155, %shift_right_arithmetic3A_175 : vector<16xi32>
        %swap3A_177 = arith.constant 0 : i32
        %swap3A_178 = arith.index_cast %swap3A_177 : i32 to index
        %swap3A_179 = arith.index_cast %mul3A_150 : i32 to index
        %swap3A_180 = tpu.vector_load %arg11[%swap3A_178, %swap3A_179] {strides = array<i32>} : memref<2x6400xi32, #tpu.memory_space<vmem>>, vector<1x16xi32>,
        %swap3A_181 = vector.shape_cast %swap3A_180 : vector<1x16xi32> to vector<16xi32>
        %swap3A_182 = vector.shape_cast %shift_right_arithmetic3A_176 : vector<16xi32> to vector<1x16xi32>
        tpu.vector_store %arg11[%swap3A_178, %swap3A_179], %swap3A_182 {strides = array<i32>} : memref<2x6400xi32, #tpu.memory_space<vmem>>, vector<1x16xi32>,
        %shift_right_arithmetic3A_183 = arith.constant 4 : i32
        %shift_right_arithmetic3A_184 = vector.broadcast %shift_right_arithmetic3A_183 : i32 to vector<16xi32>
        %shift_right_arithmetic3A_185 = arith.shrsi %get3A_155, %shift_right_arithmetic3A_184 : vector<16xi32>
        %swap3A_186 = arith.constant 0 : i32
        %swap3A_187 = arith.index_cast %swap3A_186 : i32 to index
        %swap3A_188 = arith.index_cast %mul3A_150 : i32 to index
        %swap3A_189 = tpu.vector_load %arg12[%swap3A_187, %swap3A_188] {strides = array<i32>} : memref<2x6400xi32, #tpu.memory_space<vmem>>, vector<1x16xi32>,
        %swap3A_190 = vector.shape_cast %swap3A_189 : vector<1x16xi32> to vector<16xi32>
        %swap3A_191 = vector.shape_cast %shift_right_arithmetic3A_185 : vector<16xi32> to vector<1x16xi32>
        tpu.vector_store %arg12[%swap3A_187, %swap3A_188], %swap3A_191 {strides = array<i32>} : memref<2x6400xi32, #tpu.memory_space<vmem>>, vector<1x16xi32>,
        %scan3A_192 = arith.constant 4 : i32
        %scan3A_193 = arith.addi %scan3A_16, %scan3A_192 : i32
        %mul3A_194 = arith.constant 16 : i32
        %mul3A_195 = arith.muli %scan3A_193, %mul3A_194 : i32
        %get3A_196 = arith.constant 0 : i32
        %get3A_197 = arith.index_cast %get3A_196 : i32 to index
        %get3A_198 = arith.index_cast %mul3A_195 : i32 to index
        %get3A_199 = tpu.vector_load %arg8[%get3A_197, %get3A_198] {strides = array<i32>} : memref<2x6400xi32, #tpu.memory_space<vmem>>, vector<1x16xi32>,
        %get3A_200 = vector.shape_cast %get3A_199 : vector<1x16xi32> to vector<16xi32>
        %shift_right_arithmetic3A_201 = arith.constant 1 : i32
        %shift_right_arithmetic3A_202 = vector.broadcast %shift_right_arithmetic3A_201 : i32 to vector<16xi32>
        %shift_right_arithmetic3A_203 = arith.shrsi %get3A_200, %shift_right_arithmetic3A_202 : vector<16xi32>
        %swap3A_204 = arith.constant 0 : i32
        %swap3A_205 = arith.index_cast %swap3A_204 : i32 to index
        %swap3A_206 = arith.index_cast %mul3A_195 : i32 to index
        %swap3A_207 = tpu.vector_load %arg9[%swap3A_205, %swap3A_206] {strides = array<i32>} : memref<2x6400xi32, #tpu.memory_space<vmem>>, vector<1x16xi32>,
        %swap3A_208 = vector.shape_cast %swap3A_207 : vector<1x16xi32> to vector<16xi32>
        %swap3A_209 = vector.shape_cast %shift_right_arithmetic3A_203 : vector<16xi32> to vector<1x16xi32>
        tpu.vector_store %arg9[%swap3A_205, %swap3A_206], %swap3A_209 {strides = array<i32>} : memref<2x6400xi32, #tpu.memory_space<vmem>>, vector<1x16xi32>,
        %shift_right_arithmetic3A_210 = arith.constant 2 : i32
        %shift_right_arithmetic3A_211 = vector.broadcast %shift_right_arithmetic3A_210 : i32 to vector<16xi32>
        %shift_right_arithmetic3A_212 = arith.shrsi %get3A_200, %shift_right_arithmetic3A_211 : vector<16xi32>
        %swap3A_213 = arith.constant 0 : i32
        %swap3A_214 = arith.index_cast %swap3A_213 : i32 to index
        %swap3A_215 = arith.index_cast %mul3A_195 : i32 to index
        %swap3A_216 = tpu.vector_load %arg10[%swap3A_214, %swap3A_215] {strides = array<i32>} : memref<2x6400xi32, #tpu.memory_space<vmem>>, vector<1x16xi32>,
        %swap3A_217 = vector.shape_cast %swap3A_216 : vector<1x16xi32> to vector<16xi32>
        %swap3A_218 = vector.shape_cast %shift_right_arithmetic3A_212 : vector<16xi32> to vector<1x16xi32>
        tpu.vector_store %arg10[%swap3A_214, %swap3A_215], %swap3A_218 {strides = array<i32>} : memref<2x6400xi32, #tpu.memory_space<vmem>>, vector<1x16xi32>,
        %shift_right_arithmetic3A_219 = arith.constant 3 : i32
        %shift_right_arithmetic3A_220 = vector.broadcast %shift_right_arithmetic3A_219 : i32 to vector<16xi32>
        %shift_right_arithmetic3A_221 = arith.shrsi %get3A_200, %shift_right_arithmetic3A_220 : vector<16xi32>
        %swap3A_222 = arith.constant 0 : i32
        %swap3A_223 = arith.index_cast %swap3A_222 : i32 to index
        %swap3A_224 = arith.index_cast %mul3A_195 : i32 to index
        %swap3A_225 = tpu.vector_load %arg11[%swap3A_223, %swap3A_224] {strides = array<i32>} : memref<2x6400xi32, #tpu.memory_space<vmem>>, vector<1x16xi32>,
        %swap3A_226 = vector.shape_cast %swap3A_225 : vector<1x16xi32> to vector<16xi32>
        %swap3A_227 = vector.shape_cast %shift_right_arithmetic3A_221 : vector<16xi32> to vector<1x16xi32>
        tpu.vector_store %arg11[%swap3A_223, %swap3A_224], %swap3A_227 {strides = array<i32>} : memref<2x6400xi32, #tpu.memory_space<vmem>>, vector<1x16xi32>,
        %shift_right_arithmetic3A_228 = arith.constant 4 : i32
        %shift_right_arithmetic3A_229 = vector.broadcast %shift_right_arithmetic3A_228 : i32 to vector<16xi32>
        %shift_right_arithmetic3A_230 = arith.shrsi %get3A_200, %shift_right_arithmetic3A_229 : vector<16xi32>
        %swap3A_231 = arith.constant 0 : i32
        %swap3A_232 = arith.index_cast %swap3A_231 : i32 to index
        %swap3A_233 = arith.index_cast %mul3A_195 : i32 to index
        %swap3A_234 = tpu.vector_load %arg12[%swap3A_232, %swap3A_233] {strides = array<i32>} : memref<2x6400xi32, #tpu.memory_space<vmem>>, vector<1x16xi32>,
        %swap3A_235 = vector.shape_cast %swap3A_234 : vector<1x16xi32> to vector<16xi32>
        %swap3A_236 = vector.shape_cast %shift_right_arithmetic3A_230 : vector<16xi32> to vector<1x16xi32>
        tpu.vector_store %arg12[%swap3A_232, %swap3A_233], %swap3A_236 {strides = array<i32>} : memref<2x6400xi32, #tpu.memory_space<vmem>>, vector<1x16xi32>,
        %scan3A_237 = arith.constant 5 : i32
        %scan3A_238 = arith.addi %scan3A_16, %scan3A_237 : i32
        %mul3A_239 = arith.constant 16 : i32
        %mul3A_240 = arith.muli %scan3A_238, %mul3A_239 : i32
        %get3A_241 = arith.constant 0 : i32
        %get3A_242 = arith.index_cast %get3A_241 : i32 to index
        %get3A_243 = arith.index_cast %mul3A_240 : i32 to index
        %get3A_244 = tpu.vector_load %arg8[%get3A_242, %get3A_243] {strides = array<i32>} : memref<2x6400xi32, #tpu.memory_space<vmem>>, vector<1x16xi32>,
        %get3A_245 = vector.shape_cast %get3A_244 : vector<1x16xi32> to vector<16xi32>
        %shift_right_arithmetic3A_246 = arith.constant 1 : i32
        %shift_right_arithmetic3A_247 = vector.broadcast %shift_right_arithmetic3A_246 : i32 to vector<16xi32>
        %shift_right_arithmetic3A_248 = arith.shrsi %get3A_245, %shift_right_arithmetic3A_247 : vector<16xi32>
        %swap3A_249 = arith.constant 0 : i32
        %swap3A_250 = arith.index_cast %swap3A_249 : i32 to index
        %swap3A_251 = arith.index_cast %mul3A_240 : i32 to index
        %swap3A_252 = tpu.vector_load %arg9[%swap3A_250, %swap3A_251] {strides = array<i32>} : memref<2x6400xi32, #tpu.memory_space<vmem>>, vector<1x16xi32>,
        %swap3A_253 = vector.shape_cast %swap3A_252 : vector<1x16xi32> to vector<16xi32>
        %swap3A_254 = vector.shape_cast %shift_right_arithmetic3A_248 : vector<16xi32> to vector<1x16xi32>
        tpu.vector_store %arg9[%swap3A_250, %swap3A_251], %swap3A_254 {strides = array<i32>} : memref<2x6400xi32, #tpu.memory_space<vmem>>, vector<1x16xi32>,
        %shift_right_arithmetic3A_255 = arith.constant 2 : i32
        %shift_right_arithmetic3A_256 = vector.broadcast %shift_right_arithmetic3A_255 : i32 to vector<16xi32>
        %shift_right_arithmetic3A_257 = arith.shrsi %get3A_245, %shift_right_arithmetic3A_256 : vector<16xi32>
        %swap3A_258 = arith.constant 0 : i32
        %swap3A_259 = arith.index_cast %swap3A_258 : i32 to index
        %swap3A_260 = arith.index_cast %mul3A_240 : i32 to index
        %swap3A_261 = tpu.vector_load %arg10[%swap3A_259, %swap3A_260] {strides = array<i32>} : memref<2x6400xi32, #tpu.memory_space<vmem>>, vector<1x16xi32>,
        %swap3A_262 = vector.shape_cast %swap3A_261 : vector<1x16xi32> to vector<16xi32>
        %swap3A_263 = vector.shape_cast %shift_right_arithmetic3A_257 : vector<16xi32> to vector<1x16xi32>
        tpu.vector_store %arg10[%swap3A_259, %swap3A_260], %swap3A_263 {strides = array<i32>} : memref<2x6400xi32, #tpu.memory_space<vmem>>, vector<1x16xi32>,
        %shift_right_arithmetic3A_264 = arith.constant 3 : i32
        %shift_right_arithmetic3A_265 = vector.broadcast %shift_right_arithmetic3A_264 : i32 to vector<16xi32>
        %shift_right_arithmetic3A_266 = arith.shrsi %get3A_245, %shift_right_arithmetic3A_265 : vector<16xi32>
        %swap3A_267 = arith.constant 0 : i32
        %swap3A_268 = arith.index_cast %swap3A_267 : i32 to index
        %swap3A_269 = arith.index_cast %mul3A_240 : i32 to index
        %swap3A_270 = tpu.vector_load %arg11[%swap3A_268, %swap3A_269] {strides = array<i32>} : memref<2x6400xi32, #tpu.memory_space<vmem>>, vector<1x16xi32>,
        %swap3A_271 = vector.shape_cast %swap3A_270 : vector<1x16xi32> to vector<16xi32>
        %swap3A_272 = vector.shape_cast %shift_right_arithmetic3A_266 : vector<16xi32> to vector<1x16xi32>
        tpu.vector_store %arg11[%swap3A_268, %swap3A_269], %swap3A_272 {strides = array<i32>} : memref<2x6400xi32, #tpu.memory_space<vmem>>, vector<1x16xi32>,
        %shift_right_arithmetic3A_273 = arith.constant 4 : i32
        %shift_right_arithmetic3A_274 = vector.broadcast %shift_right_arithmetic3A_273 : i32 to vector<16xi32>
        %shift_right_arithmetic3A_275 = arith.shrsi %get3A_245, %shift_right_arithmetic3A_274 : vector<16xi32>
        %swap3A_276 = arith.constant 0 : i32
        %swap3A_277 = arith.index_cast %swap3A_276 : i32 to index
        %swap3A_278 = arith.index_cast %mul3A_240 : i32 to index
        %swap3A_279 = tpu.vector_load %arg12[%swap3A_277, %swap3A_278] {strides = array<i32>} : memref<2x6400xi32, #tpu.memory_space<vmem>>, vector<1x16xi32>,
        %swap3A_280 = vector.shape_cast %swap3A_279 : vector<1x16xi32> to vector<16xi32>
        %swap3A_281 = vector.shape_cast %shift_right_arithmetic3A_275 : vector<16xi32> to vector<1x16xi32>
        tpu.vector_store %arg12[%swap3A_277, %swap3A_278], %swap3A_281 {strides = array<i32>} : memref<2x6400xi32, #tpu.memory_space<vmem>>, vector<1x16xi32>,
        %scan3A_282 = arith.constant 6 : i32
        %scan3A_283 = arith.addi %scan3A_16, %scan3A_282 : i32
        %mul3A_284 = arith.constant 16 : i32
        %mul3A_285 = arith.muli %scan3A_283, %mul3A_284 : i32
        %get3A_286 = arith.constant 0 : i32
        %get3A_287 = arith.index_cast %get3A_286 : i32 to index
        %get3A_288 = arith.index_cast %mul3A_285 : i32 to index
        %get3A_289 = tpu.vector_load %arg8[%get3A_287, %get3A_288] {strides = array<i32>} : memref<2x6400xi32, #tpu.memory_space<vmem>>, vector<1x16xi32>,
        %get3A_290 = vector.shape_cast %get3A_289 : vector<1x16xi32> to vector<16xi32>
        %shift_right_arithmetic3A_291 = arith.constant 1 : i32
        %shift_right_arithmetic3A_292 = vector.broadcast %shift_right_arithmetic3A_291 : i32 to vector<16xi32>
        %shift_right_arithmetic3A_293 = arith.shrsi %get3A_290, %shift_right_arithmetic3A_292 : vector<16xi32>
        %swap3A_294 = arith.constant 0 : i32
        %swap3A_295 = arith.index_cast %swap3A_294 : i32 to index
        %swap3A_296 = arith.index_cast %mul3A_285 : i32 to index
        %swap3A_297 = tpu.vector_load %arg9[%swap3A_295, %swap3A_296] {strides = array<i32>} : memref<2x6400xi32, #tpu.memory_space<vmem>>, vector<1x16xi32>,
        %swap3A_298 = vector.shape_cast %swap3A_297 : vector<1x16xi32> to vector<16xi32>
        %swap3A_299 = vector.shape_cast %shift_right_arithmetic3A_293 : vector<16xi32> to vector<1x16xi32>
        tpu.vector_store %arg9[%swap3A_295, %swap3A_296], %swap3A_299 {strides = array<i32>} : memref<2x6400xi32, #tpu.memory_space<vmem>>, vector<1x16xi32>,
        %shift_right_arithmetic3A_300 = arith.constant 2 : i32
        %shift_right_arithmetic3A_301 = vector.broadcast %shift_right_arithmetic3A_300 : i32 to vector<16xi32>
        %shift_right_arithmetic3A_302 = arith.shrsi %get3A_290, %shift_right_arithmetic3A_301 : vector<16xi32>
        %swap3A_303 = arith.constant 0 : i32
        %swap3A_304 = arith.index_cast %swap3A_303 : i32 to index
        %swap3A_305 = arith.index_cast %mul3A_285 : i32 to index
        %swap3A_306 = tpu.vector_load %arg10[%swap3A_304, %swap3A_305] {strides = array<i32>} : memref<2x6400xi32, #tpu.memory_space<vmem>>, vector<1x16xi32>,
        %swap3A_307 = vector.shape_cast %swap3A_306 : vector<1x16xi32> to vector<16xi32>
        %swap3A_308 = vector.shape_cast %shift_right_arithmetic3A_302 : vector<16xi32> to vector<1x16xi32>
        tpu.vector_store %arg10[%swap3A_304, %swap3A_305], %swap3A_308 {strides = array<i32>} : memref<2x6400xi32, #tpu.memory_space<vmem>>, vector<1x16xi32>,
        %shift_right_arithmetic3A_309 = arith.constant 3 : i32
        %shift_right_arithmetic3A_310 = vector.broadcast %shift_right_arithmetic3A_309 : i32 to vector<16xi32>
        %shift_right_arithmetic3A_311 = arith.shrsi %get3A_290, %shift_right_arithmetic3A_310 : vector<16xi32>
        %swap3A_312 = arith.constant 0 : i32
        %swap3A_313 = arith.index_cast %swap3A_312 : i32 to index
        %swap3A_314 = arith.index_cast %mul3A_285 : i32 to index
        %swap3A_315 = tpu.vector_load %arg11[%swap3A_313, %swap3A_314] {strides = array<i32>} : memref<2x6400xi32, #tpu.memory_space<vmem>>, vector<1x16xi32>,
        %swap3A_316 = vector.shape_cast %swap3A_315 : vector<1x16xi32> to vector<16xi32>
        %swap3A_317 = vector.shape_cast %shift_right_arithmetic3A_311 : vector<16xi32> to vector<1x16xi32>
        tpu.vector_store %arg11[%swap3A_313, %swap3A_314], %swap3A_317 {strides = array<i32>} : memref<2x6400xi32, #tpu.memory_space<vmem>>, vector<1x16xi32>,
        %shift_right_arithmetic3A_318 = arith.constant 4 : i32
        %shift_right_arithmetic3A_319 = vector.broadcast %shift_right_arithmetic3A_318 : i32 to vector<16xi32>
        %shift_right_arithmetic3A_320 = arith.shrsi %get3A_290, %shift_right_arithmetic3A_319 : vector<16xi32>
        %swap3A_321 = arith.constant 0 : i32
        %swap3A_322 = arith.index_cast %swap3A_321 : i32 to index
        %swap3A_323 = arith.index_cast %mul3A_285 : i32 to index
        %swap3A_324 = tpu.vector_load %arg12[%swap3A_322, %swap3A_323] {strides = array<i32>} : memref<2x6400xi32, #tpu.memory_space<vmem>>, vector<1x16xi32>,
        %swap3A_325 = vector.shape_cast %swap3A_324 : vector<1x16xi32> to vector<16xi32>
        %swap3A_326 = vector.shape_cast %shift_right_arithmetic3A_320 : vector<16xi32> to vector<1x16xi32>
        tpu.vector_store %arg12[%swap3A_322, %swap3A_323], %swap3A_326 {strides = array<i32>} : memref<2x6400xi32, #tpu.memory_space<vmem>>, vector<1x16xi32>,
        %scan3A_327 = arith.constant 7 : i32
        %scan3A_328 = arith.addi %scan3A_16, %scan3A_327 : i32
        %mul3A_329 = arith.constant 16 : i32
        %mul3A_330 = arith.muli %scan3A_328, %mul3A_329 : i32
        %get3A_331 = arith.constant 0 : i32
        %get3A_332 = arith.index_cast %get3A_331 : i32 to index
        %get3A_333 = arith.index_cast %mul3A_330 : i32 to index
        %get3A_334 = tpu.vector_load %arg8[%get3A_332, %get3A_333] {strides = array<i32>} : memref<2x6400xi32, #tpu.memory_space<vmem>>, vector<1x16xi32>,
        %get3A_335 = vector.shape_cast %get3A_334 : vector<1x16xi32> to vector<16xi32>
        %shift_right_arithmetic3A_336 = arith.constant 1 : i32
        %shift_right_arithmetic3A_337 = vector.broadcast %shift_right_arithmetic3A_336 : i32 to vector<16xi32>
        %shift_right_arithmetic3A_338 = arith.shrsi %get3A_335, %shift_right_arithmetic3A_337 : vector<16xi32>
        %swap3A_339 = arith.constant 0 : i32
        %swap3A_340 = arith.index_cast %swap3A_339 : i32 to index
        %swap3A_341 = arith.index_cast %mul3A_330 : i32 to index
        %swap3A_342 = tpu.vector_load %arg9[%swap3A_340, %swap3A_341] {strides = array<i32>} : memref<2x6400xi32, #tpu.memory_space<vmem>>, vector<1x16xi32>,
        %swap3A_343 = vector.shape_cast %swap3A_342 : vector<1x16xi32> to vector<16xi32>
        %swap3A_344 = vector.shape_cast %shift_right_arithmetic3A_338 : vector<16xi32> to vector<1x16xi32>
        tpu.vector_store %arg9[%swap3A_340, %swap3A_341], %swap3A_344 {strides = array<i32>} : memref<2x6400xi32, #tpu.memory_space<vmem>>, vector<1x16xi32>,
        %shift_right_arithmetic3A_345 = arith.constant 2 : i32
        %shift_right_arithmetic3A_346 = vector.broadcast %shift_right_arithmetic3A_345 : i32 to vector<16xi32>
        %shift_right_arithmetic3A_347 = arith.shrsi %get3A_335, %shift_right_arithmetic3A_346 : vector<16xi32>
        %swap3A_348 = arith.constant 0 : i32
        %swap3A_349 = arith.index_cast %swap3A_348 : i32 to index
        %swap3A_350 = arith.index_cast %mul3A_330 : i32 to index
        %swap3A_351 = tpu.vector_load %arg10[%swap3A_349, %swap3A_350] {strides = array<i32>} : memref<2x6400xi32, #tpu.memory_space<vmem>>, vector<1x16xi32>,
        %swap3A_352 = vector.shape_cast %swap3A_351 : vector<1x16xi32> to vector<16xi32>
        %swap3A_353 = vector.shape_cast %shift_right_arithmetic3A_347 : vector<16xi32> to vector<1x16xi32>
        tpu.vector_store %arg10[%swap3A_349, %swap3A_350], %swap3A_353 {strides = array<i32>} : memref<2x6400xi32, #tpu.memory_space<vmem>>, vector<1x16xi32>,
        %shift_right_arithmetic3A_354 = arith.constant 3 : i32
        %shift_right_arithmetic3A_355 = vector.broadcast %shift_right_arithmetic3A_354 : i32 to vector<16xi32>
        %shift_right_arithmetic3A_356 = arith.shrsi %get3A_335, %shift_right_arithmetic3A_355 : vector<16xi32>
        %swap3A_357 = arith.constant 0 : i32
        %swap3A_358 = arith.index_cast %swap3A_357 : i32 to index
        %swap3A_359 = arith.index_cast %mul3A_330 : i32 to index
        %swap3A_360 = tpu.vector_load %arg11[%swap3A_358, %swap3A_359] {strides = array<i32>} : memref<2x6400xi32, #tpu.memory_space<vmem>>, vector<1x16xi32>,
        %swap3A_361 = vector.shape_cast %swap3A_360 : vector<1x16xi32> to vector<16xi32>
        %swap3A_362 = vector.shape_cast %shift_right_arithmetic3A_356 : vector<16xi32> to vector<1x16xi32>
        tpu.vector_store %arg11[%swap3A_358, %swap3A_359], %swap3A_362 {strides = array<i32>} : memref<2x6400xi32, #tpu.memory_space<vmem>>, vector<1x16xi32>,
        %shift_right_arithmetic3A_363 = arith.constant 4 : i32
        %shift_right_arithmetic3A_364 = vector.broadcast %shift_right_arithmetic3A_363 : i32 to vector<16xi32>
        %shift_right_arithmetic3A_365 = arith.shrsi %get3A_335, %shift_right_arithmetic3A_364 : vector<16xi32>
        %swap3A_366 = arith.constant 0 : i32
        %swap3A_367 = arith.index_cast %swap3A_366 : i32 to index
        %swap3A_368 = arith.index_cast %mul3A_330 : i32 to index
        %swap3A_369 = tpu.vector_load %arg12[%swap3A_367, %swap3A_368] {strides = array<i32>} : memref<2x6400xi32, #tpu.memory_space<vmem>>, vector<1x16xi32>,
        %swap3A_370 = vector.shape_cast %swap3A_369 : vector<1x16xi32> to vector<16xi32>
        %swap3A_371 = vector.shape_cast %shift_right_arithmetic3A_365 : vector<16xi32> to vector<1x16xi32>
        tpu.vector_store %arg12[%swap3A_367, %swap3A_368], %swap3A_371 {strides = array<i32>} : memref<2x6400xi32, #tpu.memory_space<vmem>>, vector<1x16xi32>,
      }
      %scan3A_9 = arith.constant 400 : i32
      %scan3A_10 = arith.constant 0 : i32
      %scan3A_11 = arith.constant 0 : i32
      %scan3A_12 = arith.constant 400 : i32
      %scan3A_13 = arith.addi %scan3A_11, %scan3A_12 : i32
      %scan3A_14 = arith.constant 8 : i32
      scf.for %scan3A_16 = %scan3A_11 to %scan3A_13 step %scan3A_14  : i32 {
        %mul3A_17 = arith.constant 16 : i32
        %mul3A_18 = arith.muli %scan3A_16, %mul3A_17 : i32
        %get3A = arith.constant 1 : i32
        %get3A_19 = arith.index_cast %get3A : i32 to index
        %get3A_20 = arith.index_cast %mul3A_18 : i32 to index
        %get3A_21 = tpu.vector_load %arg8[%get3A_19, %get3A_20] {strides = array<i32>} : memref<2x6400xi32, #tpu.memory_space<vmem>>, vector<1x16xi32>,
        %get3A_22 = vector.shape_cast %get3A_21 : vector<1x16xi32> to vector<16xi32>
        %shift_right_arithmetic3A = arith.constant 1 : i32
        %shift_right_arithmetic3A_23 = vector.broadcast %shift_right_arithmetic3A : i32 to vector<16xi32>
        %shift_right_arithmetic3A_24 = arith.shrsi %get3A_22, %shift_right_arithmetic3A_23 : vector<16xi32>
        %swap3A = arith.constant 1 : i32
        %swap3A_25 = arith.index_cast %swap3A : i32 to index
        %swap3A_26 = arith.index_cast %mul3A_18 : i32 to index
        %swap3A_27 = tpu.vector_load %arg9[%swap3A_25, %swap3A_26] {strides = array<i32>} : memref<2x6400xi32, #tpu.memory_space<vmem>>, vector<1x16xi32>,
        %swap3A_28 = vector.shape_cast %swap3A_27 : vector<1x16xi32> to vector<16xi32>
        %swap3A_29 = vector.shape_cast %shift_right_arithmetic3A_24 : vector<16xi32> to vector<1x16xi32>
        tpu.vector_store %arg9[%swap3A_25, %swap3A_26], %swap3A_29 {strides = array<i32>} : memref<2x6400xi32, #tpu.memory_space<vmem>>, vector<1x16xi32>,
        %shift_right_arithmetic3A_30 = arith.constant 2 : i32
        %shift_right_arithmetic3A_31 = vector.broadcast %shift_right_arithmetic3A_30 : i32 to vector<16xi32>
        %shift_right_arithmetic3A_32 = arith.shrsi %get3A_22, %shift_right_arithmetic3A_31 : vector<16xi32>
        %swap3A_33 = arith.constant 1 : i32
        %swap3A_34 = arith.index_cast %swap3A_33 : i32 to index
        %swap3A_35 = arith.index_cast %mul3A_18 : i32 to index
        %swap3A_36 = tpu.vector_load %arg10[%swap3A_34, %swap3A_35] {strides = array<i32>} : memref<2x6400xi32, #tpu.memory_space<vmem>>, vector<1x16xi32>,
        %swap3A_37 = vector.shape_cast %swap3A_36 : vector<1x16xi32> to vector<16xi32>
        %swap3A_38 = vector.shape_cast %shift_right_arithmetic3A_32 : vector<16xi32> to vector<1x16xi32>
        tpu.vector_store %arg10[%swap3A_34, %swap3A_35], %swap3A_38 {strides = array<i32>} : memref<2x6400xi32, #tpu.memory_space<vmem>>, vector<1x16xi32>,
        %shift_right_arithmetic3A_39 = arith.constant 3 : i32
        %shift_right_arithmetic3A_40 = vector.broadcast %shift_right_arithmetic3A_39 : i32 to vector<16xi32>
        %shift_right_arithmetic3A_41 = arith.shrsi %get3A_22, %shift_right_arithmetic3A_40 : vector<16xi32>
        %swap3A_42 = arith.constant 1 : i32
        %swap3A_43 = arith.index_cast %swap3A_42 : i32 to index
        %swap3A_44 = arith.index_cast %mul3A_18 : i32 to index
        %swap3A_45 = tpu.vector_load %arg11[%swap3A_43, %swap3A_44] {strides = array<i32>} : memref<2x6400xi32, #tpu.memory_space<vmem>>, vector<1x16xi32>,
        %swap3A_46 = vector.shape_cast %swap3A_45 : vector<1x16xi32> to vector<16xi32>
        %swap3A_47 = vector.shape_cast %shift_right_arithmetic3A_41 : vector<16xi32> to vector<1x16xi32>
        tpu.vector_store %arg11[%swap3A_43, %swap3A_44], %swap3A_47 {strides = array<i32>} : memref<2x6400xi32, #tpu.memory_space<vmem>>, vector<1x16xi32>,
        %shift_right_arithmetic3A_48 = arith.constant 4 : i32
        %shift_right_arithmetic3A_49 = vector.broadcast %shift_right_arithmetic3A_48 : i32 to vector<16xi32>
        %shift_right_arithmetic3A_50 = arith.shrsi %get3A_22, %shift_right_arithmetic3A_49 : vector<16xi32>
        %swap3A_51 = arith.constant 1 : i32
        %swap3A_52 = arith.index_cast %swap3A_51 : i32 to index
        %swap3A_53 = arith.index_cast %mul3A_18 : i32 to index
        %swap3A_54 = tpu.vector_load %arg12[%swap3A_52, %swap3A_53] {strides = array<i32>} : memref<2x6400xi32, #tpu.memory_space<vmem>>, vector<1x16xi32>,
        %swap3A_55 = vector.shape_cast %swap3A_54 : vector<1x16xi32> to vector<16xi32>
        %swap3A_56 = vector.shape_cast %shift_right_arithmetic3A_50 : vector<16xi32> to vector<1x16xi32>
        tpu.vector_store %arg12[%swap3A_52, %swap3A_53], %swap3A_56 {strides = array<i32>} : memref<2x6400xi32, #tpu.memory_space<vmem>>, vector<1x16xi32>,
        %scan3A_57 = arith.constant 1 : i32
        %scan3A_58 = arith.addi %scan3A_16, %scan3A_57 : i32
        %mul3A_59 = arith.constant 16 : i32
        %mul3A_60 = arith.muli %scan3A_58, %mul3A_59 : i32
        %get3A_61 = arith.constant 1 : i32
        %get3A_62 = arith.index_cast %get3A_61 : i32 to index
        %get3A_63 = arith.index_cast %mul3A_60 : i32 to index
        %get3A_64 = tpu.vector_load %arg8[%get3A_62, %get3A_63] {strides = array<i32>} : memref<2x6400xi32, #tpu.memory_space<vmem>>, vector<1x16xi32>,
        %get3A_65 = vector.shape_cast %get3A_64 : vector<1x16xi32> to vector<16xi32>
        %shift_right_arithmetic3A_66 = arith.constant 1 : i32
        %shift_right_arithmetic3A_67 = vector.broadcast %shift_right_arithmetic3A_66 : i32 to vector<16xi32>
        %shift_right_arithmetic3A_68 = arith.shrsi %get3A_65, %shift_right_arithmetic3A_67 : vector<16xi32>
        %swap3A_69 = arith.constant 1 : i32
        %swap3A_70 = arith.index_cast %swap3A_69 : i32 to index
        %swap3A_71 = arith.index_cast %mul3A_60 : i32 to index
        %swap3A_72 = tpu.vector_load %arg9[%swap3A_70, %swap3A_71] {strides = array<i32>} : memref<2x6400xi32, #tpu.memory_space<vmem>>, vector<1x16xi32>,
        %swap3A_73 = vector.shape_cast %swap3A_72 : vector<1x16xi32> to vector<16xi32>
        %swap3A_74 = vector.shape_cast %shift_right_arithmetic3A_68 : vector<16xi32> to vector<1x16xi32>
        tpu.vector_store %arg9[%swap3A_70, %swap3A_71], %swap3A_74 {strides = array<i32>} : memref<2x6400xi32, #tpu.memory_space<vmem>>, vector<1x16xi32>,
        %shift_right_arithmetic3A_75 = arith.constant 2 : i32
        %shift_right_arithmetic3A_76 = vector.broadcast %shift_right_arithmetic3A_75 : i32 to vector<16xi32>
        %shift_right_arithmetic3A_77 = arith.shrsi %get3A_65, %shift_right_arithmetic3A_76 : vector<16xi32>
        %swap3A_78 = arith.constant 1 : i32
        %swap3A_79 = arith.index_cast %swap3A_78 : i32 to index
        %swap3A_80 = arith.index_cast %mul3A_60 : i32 to index
        %swap3A_81 = tpu.vector_load %arg10[%swap3A_79, %swap3A_80] {strides = array<i32>} : memref<2x6400xi32, #tpu.memory_space<vmem>>, vector<1x16xi32>,
        %swap3A_82 = vector.shape_cast %swap3A_81 : vector<1x16xi32> to vector<16xi32>
        %swap3A_83 = vector.shape_cast %shift_right_arithmetic3A_77 : vector<16xi32> to vector<1x16xi32>
        tpu.vector_store %arg10[%swap3A_79, %swap3A_80], %swap3A_83 {strides = array<i32>} : memref<2x6400xi32, #tpu.memory_space<vmem>>, vector<1x16xi32>,
        %shift_right_arithmetic3A_84 = arith.constant 3 : i32
        %shift_right_arithmetic3A_85 = vector.broadcast %shift_right_arithmetic3A_84 : i32 to vector<16xi32>
        %shift_right_arithmetic3A_86 = arith.shrsi %get3A_65, %shift_right_arithmetic3A_85 : vector<16xi32>
        %swap3A_87 = arith.constant 1 : i32
        %swap3A_88 = arith.index_cast %swap3A_87 : i32 to index
        %swap3A_89 = arith.index_cast %mul3A_60 : i32 to index
        %swap3A_90 = tpu.vector_load %arg11[%swap3A_88, %swap3A_89] {strides = array<i32>} : memref<2x6400xi32, #tpu.memory_space<vmem>>, vector<1x16xi32>,
        %swap3A_91 = vector.shape_cast %swap3A_90 : vector<1x16xi32> to vector<16xi32>
        %swap3A_92 = vector.shape_cast %shift_right_arithmetic3A_86 : vector<16xi32> to vector<1x16xi32>
        tpu.vector_store %arg11[%swap3A_88, %swap3A_89], %swap3A_92 {strides = array<i32>} : memref<2x6400xi32, #tpu.memory_space<vmem>>, vector<1x16xi32>,
        %shift_right_arithmetic3A_93 = arith.constant 4 : i32
        %shift_right_arithmetic3A_94 = vector.broadcast %shift_right_arithmetic3A_93 : i32 to vector<16xi32>
        %shift_right_arithmetic3A_95 = arith.shrsi %get3A_65, %shift_right_arithmetic3A_94 : vector<16xi32>
        %swap3A_96 = arith.constant 1 : i32
        %swap3A_97 = arith.index_cast %swap3A_96 : i32 to index
        %swap3A_98 = arith.index_cast %mul3A_60 : i32 to index
        %swap3A_99 = tpu.vector_load %arg12[%swap3A_97, %swap3A_98] {strides = array<i32>} : memref<2x6400xi32, #tpu.memory_space<vmem>>, vector<1x16xi32>,
        %swap3A_100 = vector.shape_cast %swap3A_99 : vector<1x16xi32> to vector<16xi32>
        %swap3A_101 = vector.shape_cast %shift_right_arithmetic3A_95 : vector<16xi32> to vector<1x16xi32>
        tpu.vector_store %arg12[%swap3A_97, %swap3A_98], %swap3A_101 {strides = array<i32>} : memref<2x6400xi32, #tpu.memory_space<vmem>>, vector<1x16xi32>,
        %scan3A_102 = arith.constant 2 : i32
        %scan3A_103 = arith.addi %scan3A_16, %scan3A_102 : i32
        %mul3A_104 = arith.constant 16 : i32
        %mul3A_105 = arith.muli %scan3A_103, %mul3A_104 : i32
        %get3A_106 = arith.constant 1 : i32
        %get3A_107 = arith.index_cast %get3A_106 : i32 to index
        %get3A_108 = arith.index_cast %mul3A_105 : i32 to index
        %get3A_109 = tpu.vector_load %arg8[%get3A_107, %get3A_108] {strides = array<i32>} : memref<2x6400xi32, #tpu.memory_space<vmem>>, vector<1x16xi32>,
        %get3A_110 = vector.shape_cast %get3A_109 : vector<1x16xi32> to vector<16xi32>
        %shift_right_arithmetic3A_111 = arith.constant 1 : i32
        %shift_right_arithmetic3A_112 = vector.broadcast %shift_right_arithmetic3A_111 : i32 to vector<16xi32>
        %shift_right_arithmetic3A_113 = arith.shrsi %get3A_110, %shift_right_arithmetic3A_112 : vector<16xi32>
        %swap3A_114 = arith.constant 1 : i32
        %swap3A_115 = arith.index_cast %swap3A_114 : i32 to index
        %swap3A_116 = arith.index_cast %mul3A_105 : i32 to index
        %swap3A_117 = tpu.vector_load %arg9[%swap3A_115, %swap3A_116] {strides = array<i32>} : memref<2x6400xi32, #tpu.memory_space<vmem>>, vector<1x16xi32>,
        %swap3A_118 = vector.shape_cast %swap3A_117 : vector<1x16xi32> to vector<16xi32>
        %swap3A_119 = vector.shape_cast %shift_right_arithmetic3A_113 : vector<16xi32> to vector<1x16xi32>
        tpu.vector_store %arg9[%swap3A_115, %swap3A_116], %swap3A_119 {strides = array<i32>} : memref<2x6400xi32, #tpu.memory_space<vmem>>, vector<1x16xi32>,
        %shift_right_arithmetic3A_120 = arith.constant 2 : i32
        %shift_right_arithmetic3A_121 = vector.broadcast %shift_right_arithmetic3A_120 : i32 to vector<16xi32>
        %shift_right_arithmetic3A_122 = arith.shrsi %get3A_110, %shift_right_arithmetic3A_121 : vector<16xi32>
        %swap3A_123 = arith.constant 1 : i32
        %swap3A_124 = arith.index_cast %swap3A_123 : i32 to index
        %swap3A_125 = arith.index_cast %mul3A_105 : i32 to index
        %swap3A_126 = tpu.vector_load %arg10[%swap3A_124, %swap3A_125] {strides = array<i32>} : memref<2x6400xi32, #tpu.memory_space<vmem>>, vector<1x16xi32>,
        %swap3A_127 = vector.shape_cast %swap3A_126 : vector<1x16xi32> to vector<16xi32>
        %swap3A_128 = vector.shape_cast %shift_right_arithmetic3A_122 : vector<16xi32> to vector<1x16xi32>
        tpu.vector_store %arg10[%swap3A_124, %swap3A_125], %swap3A_128 {strides = array<i32>} : memref<2x6400xi32, #tpu.memory_space<vmem>>, vector<1x16xi32>,
        %shift_right_arithmetic3A_129 = arith.constant 3 : i32
        %shift_right_arithmetic3A_130 = vector.broadcast %shift_right_arithmetic3A_129 : i32 to vector<16xi32>
        %shift_right_arithmetic3A_131 = arith.shrsi %get3A_110, %shift_right_arithmetic3A_130 : vector<16xi32>
        %swap3A_132 = arith.constant 1 : i32
        %swap3A_133 = arith.index_cast %swap3A_132 : i32 to index
        %swap3A_134 = arith.index_cast %mul3A_105 : i32 to index
        %swap3A_135 = tpu.vector_load %arg11[%swap3A_133, %swap3A_134] {strides = array<i32>} : memref<2x6400xi32, #tpu.memory_space<vmem>>, vector<1x16xi32>,
        %swap3A_136 = vector.shape_cast %swap3A_135 : vector<1x16xi32> to vector<16xi32>
        %swap3A_137 = vector.shape_cast %shift_right_arithmetic3A_131 : vector<16xi32> to vector<1x16xi32>
        tpu.vector_store %arg11[%swap3A_133, %swap3A_134], %swap3A_137 {strides = array<i32>} : memref<2x6400xi32, #tpu.memory_space<vmem>>, vector<1x16xi32>,
        %shift_right_arithmetic3A_138 = arith.constant 4 : i32
        %shift_right_arithmetic3A_139 = vector.broadcast %shift_right_arithmetic3A_138 : i32 to vector<16xi32>
        %shift_right_arithmetic3A_140 = arith.shrsi %get3A_110, %shift_right_arithmetic3A_139 : vector<16xi32>
        %swap3A_141 = arith.constant 1 : i32
        %swap3A_142 = arith.index_cast %swap3A_141 : i32 to index
        %swap3A_143 = arith.index_cast %mul3A_105 : i32 to index
        %swap3A_144 = tpu.vector_load %arg12[%swap3A_142, %swap3A_143] {strides = array<i32>} : memref<2x6400xi32, #tpu.memory_space<vmem>>, vector<1x16xi32>,
        %swap3A_145 = vector.shape_cast %swap3A_144 : vector<1x16xi32> to vector<16xi32>
        %swap3A_146 = vector.shape_cast %shift_right_arithmetic3A_140 : vector<16xi32> to vector<1x16xi32>
        tpu.vector_store %arg12[%swap3A_142, %swap3A_143], %swap3A_146 {strides = array<i32>} : memref<2x6400xi32, #tpu.memory_space<vmem>>, vector<1x16xi32>,
        %scan3A_147 = arith.constant 3 : i32
        %scan3A_148 = arith.addi %scan3A_16, %scan3A_147 : i32
        %mul3A_149 = arith.constant 16 : i32
        %mul3A_150 = arith.muli %scan3A_148, %mul3A_149 : i32
        %get3A_151 = arith.constant 1 : i32
        %get3A_152 = arith.index_cast %get3A_151 : i32 to index
        %get3A_153 = arith.index_cast %mul3A_150 : i32 to index
        %get3A_154 = tpu.vector_load %arg8[%get3A_152, %get3A_153] {strides = array<i32>} : memref<2x6400xi32, #tpu.memory_space<vmem>>, vector<1x16xi32>,
        %get3A_155 = vector.shape_cast %get3A_154 : vector<1x16xi32> to vector<16xi32>
        %shift_right_arithmetic3A_156 = arith.constant 1 : i32
        %shift_right_arithmetic3A_157 = vector.broadcast %shift_right_arithmetic3A_156 : i32 to vector<16xi32>
        %shift_right_arithmetic3A_158 = arith.shrsi %get3A_155, %shift_right_arithmetic3A_157 : vector<16xi32>
        %swap3A_159 = arith.constant 1 : i32
        %swap3A_160 = arith.index_cast %swap3A_159 : i32 to index
        %swap3A_161 = arith.index_cast %mul3A_150 : i32 to index
        %swap3A_162 = tpu.vector_load %arg9[%swap3A_160, %swap3A_161] {strides = array<i32>} : memref<2x6400xi32, #tpu.memory_space<vmem>>, vector<1x16xi32>,
        %swap3A_163 = vector.shape_cast %swap3A_162 : vector<1x16xi32> to vector<16xi32>
        %swap3A_164 = vector.shape_cast %shift_right_arithmetic3A_158 : vector<16xi32> to vector<1x16xi32>
        tpu.vector_store %arg9[%swap3A_160, %swap3A_161], %swap3A_164 {strides = array<i32>} : memref<2x6400xi32, #tpu.memory_space<vmem>>, vector<1x16xi32>,
        %shift_right_arithmetic3A_165 = arith.constant 2 : i32
        %shift_right_arithmetic3A_166 = vector.broadcast %shift_right_arithmetic3A_165 : i32 to vector<16xi32>
        %shift_right_arithmetic3A_167 = arith.shrsi %get3A_155, %shift_right_arithmetic3A_166 : vector<16xi32>
        %swap3A_168 = arith.constant 1 : i32
        %swap3A_169 = arith.index_cast %swap3A_168 : i32 to index
        %swap3A_170 = arith.index_cast %mul3A_150 : i32 to index
        %swap3A_171 = tpu.vector_load %arg10[%swap3A_169, %swap3A_170] {strides = array<i32>} : memref<2x6400xi32, #tpu.memory_space<vmem>>, vector<1x16xi32>,
        %swap3A_172 = vector.shape_cast %swap3A_171 : vector<1x16xi32> to vector<16xi32>
        %swap3A_173 = vector.shape_cast %shift_right_arithmetic3A_167 : vector<16xi32> to vector<1x16xi32>
        tpu.vector_store %arg10[%swap3A_169, %swap3A_170], %swap3A_173 {strides = array<i32>} : memref<2x6400xi32, #tpu.memory_space<vmem>>, vector<1x16xi32>,
        %shift_right_arithmetic3A_174 = arith.constant 3 : i32
        %shift_right_arithmetic3A_175 = vector.broadcast %shift_right_arithmetic3A_174 : i32 to vector<16xi32>
        %shift_right_arithmetic3A_176 = arith.shrsi %get3A_155, %shift_right_arithmetic3A_175 : vector<16xi32>
        %swap3A_177 = arith.constant 1 : i32
        %swap3A_178 = arith.index_cast %swap3A_177 : i32 to index
        %swap3A_179 = arith.index_cast %mul3A_150 : i32 to index
        %swap3A_180 = tpu.vector_load %arg11[%swap3A_178, %swap3A_179] {strides = array<i32>} : memref<2x6400xi32, #tpu.memory_space<vmem>>, vector<1x16xi32>,
        %swap3A_181 = vector.shape_cast %swap3A_180 : vector<1x16xi32> to vector<16xi32>
        %swap3A_182 = vector.shape_cast %shift_right_arithmetic3A_176 : vector<16xi32> to vector<1x16xi32>
        tpu.vector_store %arg11[%swap3A_178, %swap3A_179], %swap3A_182 {strides = array<i32>} : memref<2x6400xi32, #tpu.memory_space<vmem>>, vector<1x16xi32>,
        %shift_right_arithmetic3A_183 = arith.constant 4 : i32
        %shift_right_arithmetic3A_184 = vector.broadcast %shift_right_arithmetic3A_183 : i32 to vector<16xi32>
        %shift_right_arithmetic3A_185 = arith.shrsi %get3A_155, %shift_right_arithmetic3A_184 : vector<16xi32>
        %swap3A_186 = arith.constant 1 : i32
        %swap3A_187 = arith.index_cast %swap3A_186 : i32 to index
        %swap3A_188 = arith.index_cast %mul3A_150 : i32 to index
        %swap3A_189 = tpu.vector_load %arg12[%swap3A_187, %swap3A_188] {strides = array<i32>} : memref<2x6400xi32, #tpu.memory_space<vmem>>, vector<1x16xi32>,
        %swap3A_190 = vector.shape_cast %swap3A_189 : vector<1x16xi32> to vector<16xi32>
        %swap3A_191 = vector.shape_cast %shift_right_arithmetic3A_185 : vector<16xi32> to vector<1x16xi32>
        tpu.vector_store %arg12[%swap3A_187, %swap3A_188], %swap3A_191 {strides = array<i32>} : memref<2x6400xi32, #tpu.memory_space<vmem>>, vector<1x16xi32>,
        %scan3A_192 = arith.constant 4 : i32
        %scan3A_193 = arith.addi %scan3A_16, %scan3A_192 : i32
        %mul3A_194 = arith.constant 16 : i32
        %mul3A_195 = arith.muli %scan3A_193, %mul3A_194 : i32
        %get3A_196 = arith.constant 1 : i32
        %get3A_197 = arith.index_cast %get3A_196 : i32 to index
        %get3A_198 = arith.index_cast %mul3A_195 : i32 to index
        %get3A_199 = tpu.vector_load %arg8[%get3A_197, %get3A_198] {strides = array<i32>} : memref<2x6400xi32, #tpu.memory_space<vmem>>, vector<1x16xi32>,
        %get3A_200 = vector.shape_cast %get3A_199 : vector<1x16xi32> to vector<16xi32>
        %shift_right_arithmetic3A_201 = arith.constant 1 : i32
        %shift_right_arithmetic3A_202 = vector.broadcast %shift_right_arithmetic3A_201 : i32 to vector<16xi32>
        %shift_right_arithmetic3A_203 = arith.shrsi %get3A_200, %shift_right_arithmetic3A_202 : vector<16xi32>
        %swap3A_204 = arith.constant 1 : i32
        %swap3A_205 = arith.index_cast %swap3A_204 : i32 to index
        %swap3A_206 = arith.index_cast %mul3A_195 : i32 to index
        %swap3A_207 = tpu.vector_load %arg9[%swap3A_205, %swap3A_206] {strides = array<i32>} : memref<2x6400xi32, #tpu.memory_space<vmem>>, vector<1x16xi32>,
        %swap3A_208 = vector.shape_cast %swap3A_207 : vector<1x16xi32> to vector<16xi32>
        %swap3A_209 = vector.shape_cast %shift_right_arithmetic3A_203 : vector<16xi32> to vector<1x16xi32>
        tpu.vector_store %arg9[%swap3A_205, %swap3A_206], %swap3A_209 {strides = array<i32>} : memref<2x6400xi32, #tpu.memory_space<vmem>>, vector<1x16xi32>,
        %shift_right_arithmetic3A_210 = arith.constant 2 : i32
        %shift_right_arithmetic3A_211 = vector.broadcast %shift_right_arithmetic3A_210 : i32 to vector<16xi32>
        %shift_right_arithmetic3A_212 = arith.shrsi %get3A_200, %shift_right_arithmetic3A_211 : vector<16xi32>
        %swap3A_213 = arith.constant 1 : i32
        %swap3A_214 = arith.index_cast %swap3A_213 : i32 to index
        %swap3A_215 = arith.index_cast %mul3A_195 : i32 to index
        %swap3A_216 = tpu.vector_load %arg10[%swap3A_214, %swap3A_215] {strides = array<i32>} : memref<2x6400xi32, #tpu.memory_space<vmem>>, vector<1x16xi32>,
        %swap3A_217 = vector.shape_cast %swap3A_216 : vector<1x16xi32> to vector<16xi32>
        %swap3A_218 = vector.shape_cast %shift_right_arithmetic3A_212 : vector<16xi32> to vector<1x16xi32>
        tpu.vector_store %arg10[%swap3A_214, %swap3A_215], %swap3A_218 {strides = array<i32>} : memref<2x6400xi32, #tpu.memory_space<vmem>>, vector<1x16xi32>,
        %shift_right_arithmetic3A_219 = arith.constant 3 : i32
        %shift_right_arithmetic3A_220 = vector.broadcast %shift_right_arithmetic3A_219 : i32 to vector<16xi32>
        %shift_right_arithmetic3A_221 = arith.shrsi %get3A_200, %shift_right_arithmetic3A_220 : vector<16xi32>
        %swap3A_222 = arith.constant 1 : i32
        %swap3A_223 = arith.index_cast %swap3A_222 : i32 to index
        %swap3A_224 = arith.index_cast %mul3A_195 : i32 to index
        %swap3A_225 = tpu.vector_load %arg11[%swap3A_223, %swap3A_224] {strides = array<i32>} : memref<2x6400xi32, #tpu.memory_space<vmem>>, vector<1x16xi32>,
        %swap3A_226 = vector.shape_cast %swap3A_225 : vector<1x16xi32> to vector<16xi32>
        %swap3A_227 = vector.shape_cast %shift_right_arithmetic3A_221 : vector<16xi32> to vector<1x16xi32>
        tpu.vector_store %arg11[%swap3A_223, %swap3A_224], %swap3A_227 {strides = array<i32>} : memref<2x6400xi32, #tpu.memory_space<vmem>>, vector<1x16xi32>,
        %shift_right_arithmetic3A_228 = arith.constant 4 : i32
        %shift_right_arithmetic3A_229 = vector.broadcast %shift_right_arithmetic3A_228 : i32 to vector<16xi32>
        %shift_right_arithmetic3A_230 = arith.shrsi %get3A_200, %shift_right_arithmetic3A_229 : vector<16xi32>
        %swap3A_231 = arith.constant 1 : i32
        %swap3A_232 = arith.index_cast %swap3A_231 : i32 to index
        %swap3A_233 = arith.index_cast %mul3A_195 : i32 to index
        %swap3A_234 = tpu.vector_load %arg12[%swap3A_232, %swap3A_233] {strides = array<i32>} : memref<2x6400xi32, #tpu.memory_space<vmem>>, vector<1x16xi32>,
        %swap3A_235 = vector.shape_cast %swap3A_234 : vector<1x16xi32> to vector<16xi32>
        %swap3A_236 = vector.shape_cast %shift_right_arithmetic3A_230 : vector<16xi32> to vector<1x16xi32>
        tpu.vector_store %arg12[%swap3A_232, %swap3A_233], %swap3A_236 {strides = array<i32>} : memref<2x6400xi32, #tpu.memory_space<vmem>>, vector<1x16xi32>,
        %scan3A_237 = arith.constant 5 : i32
        %scan3A_238 = arith.addi %scan3A_16, %scan3A_237 : i32
        %mul3A_239 = arith.constant 16 : i32
        %mul3A_240 = arith.muli %scan3A_238, %mul3A_239 : i32
        %get3A_241 = arith.constant 1 : i32
        %get3A_242 = arith.index_cast %get3A_241 : i32 to index
        %get3A_243 = arith.index_cast %mul3A_240 : i32 to index
        %get3A_244 = tpu.vector_load %arg8[%get3A_242, %get3A_243] {strides = array<i32>} : memref<2x6400xi32, #tpu.memory_space<vmem>>, vector<1x16xi32>,
        %get3A_245 = vector.shape_cast %get3A_244 : vector<1x16xi32> to vector<16xi32>
        %shift_right_arithmetic3A_246 = arith.constant 1 : i32
        %shift_right_arithmetic3A_247 = vector.broadcast %shift_right_arithmetic3A_246 : i32 to vector<16xi32>
        %shift_right_arithmetic3A_248 = arith.shrsi %get3A_245, %shift_right_arithmetic3A_247 : vector<16xi32>
        %swap3A_249 = arith.constant 1 : i32
        %swap3A_250 = arith.index_cast %swap3A_249 : i32 to index
        %swap3A_251 = arith.index_cast %mul3A_240 : i32 to index
        %swap3A_252 = tpu.vector_load %arg9[%swap3A_250, %swap3A_251] {strides = array<i32>} : memref<2x6400xi32, #tpu.memory_space<vmem>>, vector<1x16xi32>,
        %swap3A_253 = vector.shape_cast %swap3A_252 : vector<1x16xi32> to vector<16xi32>
        %swap3A_254 = vector.shape_cast %shift_right_arithmetic3A_248 : vector<16xi32> to vector<1x16xi32>
        tpu.vector_store %arg9[%swap3A_250, %swap3A_251], %swap3A_254 {strides = array<i32>} : memref<2x6400xi32, #tpu.memory_space<vmem>>, vector<1x16xi32>,
        %shift_right_arithmetic3A_255 = arith.constant 2 : i32
        %shift_right_arithmetic3A_256 = vector.broadcast %shift_right_arithmetic3A_255 : i32 to vector<16xi32>
        %shift_right_arithmetic3A_257 = arith.shrsi %get3A_245, %shift_right_arithmetic3A_256 : vector<16xi32>
        %swap3A_258 = arith.constant 1 : i32
        %swap3A_259 = arith.index_cast %swap3A_258 : i32 to index
        %swap3A_260 = arith.index_cast %mul3A_240 : i32 to index
        %swap3A_261 = tpu.vector_load %arg10[%swap3A_259, %swap3A_260] {strides = array<i32>} : memref<2x6400xi32, #tpu.memory_space<vmem>>, vector<1x16xi32>,
        %swap3A_262 = vector.shape_cast %swap3A_261 : vector<1x16xi32> to vector<16xi32>
        %swap3A_263 = vector.shape_cast %shift_right_arithmetic3A_257 : vector<16xi32> to vector<1x16xi32>
        tpu.vector_store %arg10[%swap3A_259, %swap3A_260], %swap3A_263 {strides = array<i32>} : memref<2x6400xi32, #tpu.memory_space<vmem>>, vector<1x16xi32>,
        %shift_right_arithmetic3A_264 = arith.constant 3 : i32
        %shift_right_arithmetic3A_265 = vector.broadcast %shift_right_arithmetic3A_264 : i32 to vector<16xi32>
        %shift_right_arithmetic3A_266 = arith.shrsi %get3A_245, %shift_right_arithmetic3A_265 : vector<16xi32>
        %swap3A_267 = arith.constant 1 : i32
        %swap3A_268 = arith.index_cast %swap3A_267 : i32 to index
        %swap3A_269 = arith.index_cast %mul3A_240 : i32 to index
        %swap3A_270 = tpu.vector_load %arg11[%swap3A_268, %swap3A_269] {strides = array<i32>} : memref<2x6400xi32, #tpu.memory_space<vmem>>, vector<1x16xi32>,
        %swap3A_271 = vector.shape_cast %swap3A_270 : vector<1x16xi32> to vector<16xi32>
        %swap3A_272 = vector.shape_cast %shift_right_arithmetic3A_266 : vector<16xi32> to vector<1x16xi32>
        tpu.vector_store %arg11[%swap3A_268, %swap3A_269], %swap3A_272 {strides = array<i32>} : memref<2x6400xi32, #tpu.memory_space<vmem>>, vector<1x16xi32>,
        %shift_right_arithmetic3A_273 = arith.constant 4 : i32
        %shift_right_arithmetic3A_274 = vector.broadcast %shift_right_arithmetic3A_273 : i32 to vector<16xi32>
        %shift_right_arithmetic3A_275 = arith.shrsi %get3A_245, %shift_right_arithmetic3A_274 : vector<16xi32>
        %swap3A_276 = arith.constant 1 : i32
        %swap3A_277 = arith.index_cast %swap3A_276 : i32 to index
        %swap3A_278 = arith.index_cast %mul3A_240 : i32 to index
        %swap3A_279 = tpu.vector_load %arg12[%swap3A_277, %swap3A_278] {strides = array<i32>} : memref<2x6400xi32, #tpu.memory_space<vmem>>, vector<1x16xi32>,
        %swap3A_280 = vector.shape_cast %swap3A_279 : vector<1x16xi32> to vector<16xi32>
        %swap3A_281 = vector.shape_cast %shift_right_arithmetic3A_275 : vector<16xi32> to vector<1x16xi32>
        tpu.vector_store %arg12[%swap3A_277, %swap3A_278], %swap3A_281 {strides = array<i32>} : memref<2x6400xi32, #tpu.memory_space<vmem>>, vector<1x16xi32>,
        %scan3A_282 = arith.constant 6 : i32
        %scan3A_283 = arith.addi %scan3A_16, %scan3A_282 : i32
        %mul3A_284 = arith.constant 16 : i32
        %mul3A_285 = arith.muli %scan3A_283, %mul3A_284 : i32
        %get3A_286 = arith.constant 1 : i32
        %get3A_287 = arith.index_cast %get3A_286 : i32 to index
        %get3A_288 = arith.index_cast %mul3A_285 : i32 to index
        %get3A_289 = tpu.vector_load %arg8[%get3A_287, %get3A_288] {strides = array<i32>} : memref<2x6400xi32, #tpu.memory_space<vmem>>, vector<1x16xi32>,
        %get3A_290 = vector.shape_cast %get3A_289 : vector<1x16xi32> to vector<16xi32>
        %shift_right_arithmetic3A_291 = arith.constant 1 : i32
        %shift_right_arithmetic3A_292 = vector.broadcast %shift_right_arithmetic3A_291 : i32 to vector<16xi32>
        %shift_right_arithmetic3A_293 = arith.shrsi %get3A_290, %shift_right_arithmetic3A_292 : vector<16xi32>
        %swap3A_294 = arith.constant 1 : i32
        %swap3A_295 = arith.index_cast %swap3A_294 : i32 to index
        %swap3A_296 = arith.index_cast %mul3A_285 : i32 to index
        %swap3A_297 = tpu.vector_load %arg9[%swap3A_295, %swap3A_296] {strides = array<i32>} : memref<2x6400xi32, #tpu.memory_space<vmem>>, vector<1x16xi32>,
        %swap3A_298 = vector.shape_cast %swap3A_297 : vector<1x16xi32> to vector<16xi32>
        %swap3A_299 = vector.shape_cast %shift_right_arithmetic3A_293 : vector<16xi32> to vector<1x16xi32>
        tpu.vector_store %arg9[%swap3A_295, %swap3A_296], %swap3A_299 {strides = array<i32>} : memref<2x6400xi32, #tpu.memory_space<vmem>>, vector<1x16xi32>,
        %shift_right_arithmetic3A_300 = arith.constant 2 : i32
        %shift_right_arithmetic3A_301 = vector.broadcast %shift_right_arithmetic3A_300 : i32 to vector<16xi32>
        %shift_right_arithmetic3A_302 = arith.shrsi %get3A_290, %shift_right_arithmetic3A_301 : vector<16xi32>
        %swap3A_303 = arith.constant 1 : i32
        %swap3A_304 = arith.index_cast %swap3A_303 : i32 to index
        %swap3A_305 = arith.index_cast %mul3A_285 : i32 to index
        %swap3A_306 = tpu.vector_load %arg10[%swap3A_304, %swap3A_305] {strides = array<i32>} : memref<2x6400xi32, #tpu.memory_space<vmem>>, vector<1x16xi32>,
        %swap3A_307 = vector.shape_cast %swap3A_306 : vector<1x16xi32> to vector<16xi32>
        %swap3A_308 = vector.shape_cast %shift_right_arithmetic3A_302 : vector<16xi32> to vector<1x16xi32>
        tpu.vector_store %arg10[%swap3A_304, %swap3A_305], %swap3A_308 {strides = array<i32>} : memref<2x6400xi32, #tpu.memory_space<vmem>>, vector<1x16xi32>,
        %shift_right_arithmetic3A_309 = arith.constant 3 : i32
        %shift_right_arithmetic3A_310 = vector.broadcast %shift_right_arithmetic3A_309 : i32 to vector<16xi32>
        %shift_right_arithmetic3A_311 = arith.shrsi %get3A_290, %shift_right_arithmetic3A_310 : vector<16xi32>
        %swap3A_312 = arith.constant 1 : i32
        %swap3A_313 = arith.index_cast %swap3A_312 : i32 to index
        %swap3A_314 = arith.index_cast %mul3A_285 : i32 to index
        %swap3A_315 = tpu.vector_load %arg11[%swap3A_313, %swap3A_314] {strides = array<i32>} : memref<2x6400xi32, #tpu.memory_space<vmem>>, vector<1x16xi32>,
        %swap3A_316 = vector.shape_cast %swap3A_315 : vector<1x16xi32> to vector<16xi32>
        %swap3A_317 = vector.shape_cast %shift_right_arithmetic3A_311 : vector<16xi32> to vector<1x16xi32>
        tpu.vector_store %arg11[%swap3A_313, %swap3A_314], %swap3A_317 {strides = array<i32>} : memref<2x6400xi32, #tpu.memory_space<vmem>>, vector<1x16xi32>,
        %shift_right_arithmetic3A_318 = arith.constant 4 : i32
        %shift_right_arithmetic3A_319 = vector.broadcast %shift_right_arithmetic3A_318 : i32 to vector<16xi32>
        %shift_right_arithmetic3A_320 = arith.shrsi %get3A_290, %shift_right_arithmetic3A_319 : vector<16xi32>
        %swap3A_321 = arith.constant 1 : i32
        %swap3A_322 = arith.index_cast %swap3A_321 : i32 to index
        %swap3A_323 = arith.index_cast %mul3A_285 : i32 to index
        %swap3A_324 = tpu.vector_load %arg12[%swap3A_322, %swap3A_323] {strides = array<i32>} : memref<2x6400xi32, #tpu.memory_space<vmem>>, vector<1x16xi32>,
        %swap3A_325 = vector.shape_cast %swap3A_324 : vector<1x16xi32> to vector<16xi32>
        %swap3A_326 = vector.shape_cast %shift_right_arithmetic3A_320 : vector<16xi32> to vector<1x16xi32>
        tpu.vector_store %arg12[%swap3A_322, %swap3A_323], %swap3A_326 {strides = array<i32>} : memref<2x6400xi32, #tpu.memory_space<vmem>>, vector<1x16xi32>,
        %scan3A_327 = arith.constant 7 : i32
        %scan3A_328 = arith.addi %scan3A_16, %scan3A_327 : i32
        %mul3A_329 = arith.constant 16 : i32
        %mul3A_330 = arith.muli %scan3A_328, %mul3A_329 : i32
        %get3A_331 = arith.constant 1 : i32
        %get3A_332 = arith.index_cast %get3A_331 : i32 to index
        %get3A_333 = arith.index_cast %mul3A_330 : i32 to index
        %get3A_334 = tpu.vector_load %arg8[%get3A_332, %get3A_333] {strides = array<i32>} : memref<2x6400xi32, #tpu.memory_space<vmem>>, vector<1x16xi32>,
        %get3A_335 = vector.shape_cast %get3A_334 : vector<1x16xi32> to vector<16xi32>
        %shift_right_arithmetic3A_336 = arith.constant 1 : i32
        %shift_right_arithmetic3A_337 = vector.broadcast %shift_right_arithmetic3A_336 : i32 to vector<16xi32>
        %shift_right_arithmetic3A_338 = arith.shrsi %get3A_335, %shift_right_arithmetic3A_337 : vector<16xi32>
        %swap3A_339 = arith.constant 1 : i32
        %swap3A_340 = arith.index_cast %swap3A_339 : i32 to index
        %swap3A_341 = arith.index_cast %mul3A_330 : i32 to index
        %swap3A_342 = tpu.vector_load %arg9[%swap3A_340, %swap3A_341] {strides = array<i32>} : memref<2x6400xi32, #tpu.memory_space<vmem>>, vector<1x16xi32>,
        %swap3A_343 = vector.shape_cast %swap3A_342 : vector<1x16xi32> to vector<16xi32>
        %swap3A_344 = vector.shape_cast %shift_right_arithmetic3A_338 : vector<16xi32> to vector<1x16xi32>
        tpu.vector_store %arg9[%swap3A_340, %swap3A_341], %swap3A_344 {strides = array<i32>} : memref<2x6400xi32, #tpu.memory_space<vmem>>, vector<1x16xi32>,
        %shift_right_arithmetic3A_345 = arith.constant 2 : i32
        %shift_right_arithmetic3A_346 = vector.broadcast %shift_right_arithmetic3A_345 : i32 to vector<16xi32>
        %shift_right_arithmetic3A_347 = arith.shrsi %get3A_335, %shift_right_arithmetic3A_346 : vector<16xi32>
        %swap3A_348 = arith.constant 1 : i32
        %swap3A_349 = arith.index_cast %swap3A_348 : i32 to index
        %swap3A_350 = arith.index_cast %mul3A_330 : i32 to index
        %swap3A_351 = tpu.vector_load %arg10[%swap3A_349, %swap3A_350] {strides = array<i32>} : memref<2x6400xi32, #tpu.memory_space<vmem>>, vector<1x16xi32>,
        %swap3A_352 = vector.shape_cast %swap3A_351 : vector<1x16xi32> to vector<16xi32>
        %swap3A_353 = vector.shape_cast %shift_right_arithmetic3A_347 : vector<16xi32> to vector<1x16xi32>
        tpu.vector_store %arg10[%swap3A_349, %swap3A_350], %swap3A_353 {strides = array<i32>} : memref<2x6400xi32, #tpu.memory_space<vmem>>, vector<1x16xi32>,
        %shift_right_arithmetic3A_354 = arith.constant 3 : i32
        %shift_right_arithmetic3A_355 = vector.broadcast %shift_right_arithmetic3A_354 : i32 to vector<16xi32>
        %shift_right_arithmetic3A_356 = arith.shrsi %get3A_335, %shift_right_arithmetic3A_355 : vector<16xi32>
        %swap3A_357 = arith.constant 1 : i32
        %swap3A_358 = arith.index_cast %swap3A_357 : i32 to index
        %swap3A_359 = arith.index_cast %mul3A_330 : i32 to index
        %swap3A_360 = tpu.vector_load %arg11[%swap3A_358, %swap3A_359] {strides = array<i32>} : memref<2x6400xi32, #tpu.memory_space<vmem>>, vector<1x16xi32>,
        %swap3A_361 = vector.shape_cast %swap3A_360 : vector<1x16xi32> to vector<16xi32>
        %swap3A_362 = vector.shape_cast %shift_right_arithmetic3A_356 : vector<16xi32> to vector<1x16xi32>
        tpu.vector_store %arg11[%swap3A_358, %swap3A_359], %swap3A_362 {strides = array<i32>} : memref<2x6400xi32, #tpu.memory_space<vmem>>, vector<1x16xi32>,
        %shift_right_arithmetic3A_363 = arith.constant 4 : i32
        %shift_right_arithmetic3A_364 = vector.broadcast %shift_right_arithmetic3A_363 : i32 to vector<16xi32>
        %shift_right_arithmetic3A_365 = arith.shrsi %get3A_335, %shift_right_arithmetic3A_364 : vector<16xi32>
        %swap3A_366 = arith.constant 1 : i32
        %swap3A_367 = arith.index_cast %swap3A_366 : i32 to index
        %swap3A_368 = arith.index_cast %mul3A_330 : i32 to index
        %swap3A_369 = tpu.vector_load %arg12[%swap3A_367, %swap3A_368] {strides = array<i32>} : memref<2x6400xi32, #tpu.memory_space<vmem>>, vector<1x16xi32>,
        %swap3A_370 = vector.shape_cast %swap3A_369 : vector<1x16xi32> to vector<16xi32>
        %swap3A_371 = vector.shape_cast %shift_right_arithmetic3A_365 : vector<16xi32> to vector<1x16xi32>
        tpu.vector_store %arg12[%swap3A_367, %swap3A_368], %swap3A_371 {strides = array<i32>} : memref<2x6400xi32, #tpu.memory_space<vmem>>, vector<1x16xi32>,
      }
      %scan3A_15 = arith.constant 400 : i32
      "tpu.region"() ({
        %run_scoped3A = tpu.sem_alloc : memref<!tpu.dma_semaphore, #tpu.memory_space<semaphore_mem>>
        %dma_start3A = arith.constant 0 : i32
        %dma_start3A_16 = tpu.memref_slice %arg3[%dma_start3A, %mul3A_4] : memref<2x160000xi32, #tpu.memory_space<hbm>> -> memref<2x6400xi32, #tpu.memory_space<hbm>>
        %dma_start3A_17 = arith.constant 0 : i32
        %dma_start3A_18 = tpu.memref_slice %arg3[%dma_start3A_17, %mul3A_4] : memref<2x160000xi32, #tpu.memory_space<hbm>> -> memref<2x6400xi32, #tpu.memory_space<hbm>>
        tpu.enqueue_dma source(%arg8 : memref<2x6400xi32, #tpu.memory_space<vmem>>) target(%dma_start3A_18 : memref<2x6400xi32, #tpu.memory_space<hbm>>) target_semaphore(%run_scoped3A : memref<!tpu.dma_semaphore, #tpu.memory_space<semaphore_mem>>)
        %dma_wait3A = arith.constant 0 : i32
        %dma_wait3A_19 = tpu.memref_slice %arg3[%dma_wait3A, %mul3A_4] : memref<2x160000xi32, #tpu.memory_space<hbm>> -> memref<2x6400xi32, #tpu.memory_space<hbm>>
        %dma_wait3A_20 = arith.constant 0 : i32
        %dma_wait3A_21 = tpu.memref_slice %arg3[%dma_wait3A_20, %mul3A_4] : memref<2x160000xi32, #tpu.memory_space<hbm>> -> memref<2x6400xi32, #tpu.memory_space<hbm>>
        tpu.wait_dma2 semaphore(%run_scoped3A : memref<!tpu.dma_semaphore, #tpu.memory_space<semaphore_mem>>) src(%arg8 : memref<2x6400xi32, #tpu.memory_space<vmem>>) dst(%dma_wait3A_21 : memref<2x6400xi32, #tpu.memory_space<hbm>>)
        tpu.yield
      }) : () -> ()
      "tpu.region"() ({
        %run_scoped3A = tpu.sem_alloc : memref<!tpu.dma_semaphore, #tpu.memory_space<semaphore_mem>>
        %dma_start3A = arith.constant 0 : i32
        %dma_start3A_16 = tpu.memref_slice %arg4[%dma_start3A, %mul3A_4] : memref<2x160000xi32, #tpu.memory_space<hbm>> -> memref<2x6400xi32, #tpu.memory_space<hbm>>
        %dma_start3A_17 = arith.constant 0 : i32
        %dma_start3A_18 = tpu.memref_slice %arg4[%dma_start3A_17, %mul3A_4] : memref<2x160000xi32, #tpu.memory_space<hbm>> -> memref<2x6400xi32, #tpu.memory_space<hbm>>
        tpu.enqueue_dma source(%arg9 : memref<2x6400xi32, #tpu.memory_space<vmem>>) target(%dma_start3A_18 : memref<2x6400xi32, #tpu.memory_space<hbm>>) target_semaphore(%run_scoped3A : memref<!tpu.dma_semaphore, #tpu.memory_space<semaphore_mem>>)
        %dma_wait3A = arith.constant 0 : i32
        %dma_wait3A_19 = tpu.memref_slice %arg4[%dma_wait3A, %mul3A_4] : memref<2x160000xi32, #tpu.memory_space<hbm>> -> memref<2x6400xi32, #tpu.memory_space<hbm>>
        %dma_wait3A_20 = arith.constant 0 : i32
        %dma_wait3A_21 = tpu.memref_slice %arg4[%dma_wait3A_20, %mul3A_4] : memref<2x160000xi32, #tpu.memory_space<hbm>> -> memref<2x6400xi32, #tpu.memory_space<hbm>>
        tpu.wait_dma2 semaphore(%run_scoped3A : memref<!tpu.dma_semaphore, #tpu.memory_space<semaphore_mem>>) src(%arg9 : memref<2x6400xi32, #tpu.memory_space<vmem>>) dst(%dma_wait3A_21 : memref<2x6400xi32, #tpu.memory_space<hbm>>)
        tpu.yield
      }) : () -> ()
      "tpu.region"() ({
        %run_scoped3A = tpu.sem_alloc : memref<!tpu.dma_semaphore, #tpu.memory_space<semaphore_mem>>
        %dma_start3A = arith.constant 0 : i32
        %dma_start3A_16 = tpu.memref_slice %arg5[%dma_start3A, %mul3A_4] : memref<2x160000xi32, #tpu.memory_space<hbm>> -> memref<2x6400xi32, #tpu.memory_space<hbm>>
        %dma_start3A_17 = arith.constant 0 : i32
        %dma_start3A_18 = tpu.memref_slice %arg5[%dma_start3A_17, %mul3A_4] : memref<2x160000xi32, #tpu.memory_space<hbm>> -> memref<2x6400xi32, #tpu.memory_space<hbm>>
        tpu.enqueue_dma source(%arg10 : memref<2x6400xi32, #tpu.memory_space<vmem>>) target(%dma_start3A_18 : memref<2x6400xi32, #tpu.memory_space<hbm>>) target_semaphore(%run_scoped3A : memref<!tpu.dma_semaphore, #tpu.memory_space<semaphore_mem>>)
        %dma_wait3A = arith.constant 0 : i32
        %dma_wait3A_19 = tpu.memref_slice %arg5[%dma_wait3A, %mul3A_4] : memref<2x160000xi32, #tpu.memory_space<hbm>> -> memref<2x6400xi32, #tpu.memory_space<hbm>>
        %dma_wait3A_20 = arith.constant 0 : i32
        %dma_wait3A_21 = tpu.memref_slice %arg5[%dma_wait3A_20, %mul3A_4] : memref<2x160000xi32, #tpu.memory_space<hbm>> -> memref<2x6400xi32, #tpu.memory_space<hbm>>
        tpu.wait_dma2 semaphore(%run_scoped3A : memref<!tpu.dma_semaphore, #tpu.memory_space<semaphore_mem>>) src(%arg10 : memref<2x6400xi32, #tpu.memory_space<vmem>>) dst(%dma_wait3A_21 : memref<2x6400xi32, #tpu.memory_space<hbm>>)
        tpu.yield
      }) : () -> ()
      "tpu.region"() ({
        %run_scoped3A = tpu.sem_alloc : memref<!tpu.dma_semaphore, #tpu.memory_space<semaphore_mem>>
        %dma_start3A = arith.constant 0 : i32
        %dma_start3A_16 = tpu.memref_slice %arg6[%dma_start3A, %mul3A_4] : memref<2x160000xi32, #tpu.memory_space<hbm>> -> memref<2x6400xi32, #tpu.memory_space<hbm>>
        %dma_start3A_17 = arith.constant 0 : i32
        %dma_start3A_18 = tpu.memref_slice %arg6[%dma_start3A_17, %mul3A_4] : memref<2x160000xi32, #tpu.memory_space<hbm>> -> memref<2x6400xi32, #tpu.memory_space<hbm>>
        tpu.enqueue_dma source(%arg11 : memref<2x6400xi32, #tpu.memory_space<vmem>>) target(%dma_start3A_18 : memref<2x6400xi32, #tpu.memory_space<hbm>>) target_semaphore(%run_scoped3A : memref<!tpu.dma_semaphore, #tpu.memory_space<semaphore_mem>>)
        %dma_wait3A = arith.constant 0 : i32
        %dma_wait3A_19 = tpu.memref_slice %arg6[%dma_wait3A, %mul3A_4] : memref<2x160000xi32, #tpu.memory_space<hbm>> -> memref<2x6400xi32, #tpu.memory_space<hbm>>
        %dma_wait3A_20 = arith.constant 0 : i32
        %dma_wait3A_21 = tpu.memref_slice %arg6[%dma_wait3A_20, %mul3A_4] : memref<2x160000xi32, #tpu.memory_space<hbm>> -> memref<2x6400xi32, #tpu.memory_space<hbm>>
        tpu.wait_dma2 semaphore(%run_scoped3A : memref<!tpu.dma_semaphore, #tpu.memory_space<semaphore_mem>>) src(%arg11 : memref<2x6400xi32, #tpu.memory_space<vmem>>) dst(%dma_wait3A_21 : memref<2x6400xi32, #tpu.memory_space<hbm>>)
        tpu.yield
      }) : () -> ()
      "tpu.region"() ({
        %run_scoped3A = tpu.sem_alloc : memref<!tpu.dma_semaphore, #tpu.memory_space<semaphore_mem>>
        %dma_start3A = arith.constant 0 : i32
        %dma_start3A_16 = tpu.memref_slice %arg7[%dma_start3A, %mul3A_4] : memref<2x160000xi32, #tpu.memory_space<hbm>> -> memref<2x6400xi32, #tpu.memory_space<hbm>>
        %dma_start3A_17 = arith.constant 0 : i32
        %dma_start3A_18 = tpu.memref_slice %arg7[%dma_start3A_17, %mul3A_4] : memref<2x160000xi32, #tpu.memory_space<hbm>> -> memref<2x6400xi32, #tpu.memory_space<hbm>>
        tpu.enqueue_dma source(%arg12 : memref<2x6400xi32, #tpu.memory_space<vmem>>) target(%dma_start3A_18 : memref<2x6400xi32, #tpu.memory_space<hbm>>) target_semaphore(%run_scoped3A : memref<!tpu.dma_semaphore, #tpu.memory_space<semaphore_mem>>)
        %dma_wait3A = arith.constant 0 : i32
        %dma_wait3A_19 = tpu.memref_slice %arg7[%dma_wait3A, %mul3A_4] : memref<2x160000xi32, #tpu.memory_space<hbm>> -> memref<2x6400xi32, #tpu.memory_space<hbm>>
        %dma_wait3A_20 = arith.constant 0 : i32
        %dma_wait3A_21 = tpu.memref_slice %arg7[%dma_wait3A_20, %mul3A_4] : memref<2x160000xi32, #tpu.memory_space<hbm>> -> memref<2x6400xi32, #tpu.memory_space<hbm>>
        tpu.wait_dma2 semaphore(%run_scoped3A : memref<!tpu.dma_semaphore, #tpu.memory_space<semaphore_mem>>) src(%arg12 : memref<2x6400xi32, #tpu.memory_space<vmem>>) dst(%dma_wait3A_21 : memref<2x6400xi32, #tpu.memory_space<hbm>>)
        tpu.yield
      }) : () -> ()
    } else {
    }
    return
  }
}

module attributes {stable_mosaic.version = 14 : i64} {
  func.func @_pool_body(%arg0: memref<10000x256xf32, #tpu.memory_space<vmem>>, %arg1: memref<10000x256xf32, #tpu.memory_space<vmem>>, %arg2: memref<5000x256xf32, #tpu.memory_space<vmem>>, %arg3: memref<2500x256xf32, #tpu.memory_space<vmem>>, %arg4: memref<1250x256xf32, #tpu.memory_space<vmem>>, %arg5: memref<625x256xf32, #tpu.memory_space<vmem>>) attributes {dimension_semantics = [], scalar_prefetch = 0 : i64, scratch_operands = 0 : i64, tpu.core_type = #tpu.core_type<tc>} {
    %get3A = arith.constant 0 : index
    %get3A_0 = arith.constant 0 : index
    %get3A_1 = vector.load %arg0[%get3A, %get3A_0] : memref<10000x256xf32, #tpu.memory_space<vmem>>, vector<10000x256xf32>
    %swap3A = arith.constant 0 : index
    %swap3A_2 = arith.constant 0 : index
    %swap3A_3 = vector.load %arg1[%swap3A, %swap3A_2] : memref<10000x256xf32, #tpu.memory_space<vmem>>, vector<10000x256xf32>
    tpu.vector_store %arg1[%swap3A, %swap3A_2], %get3A_1 {strides = array<i32>} : memref<10000x256xf32, #tpu.memory_space<vmem>>, vector<10000x256xf32>,
    %reshape3A = vector.shape_cast %get3A_1 : vector<10000x256xf32> to vector<5000x512xf32>
    %slice3A = vector.extract_strided_slice %reshape3A {offsets = [0, 0], sizes = [5000, 256], strides = [1, 1]} : vector<5000x512xf32> to vector<5000x256xf32>
    %slice3A_4 = vector.extract_strided_slice %reshape3A {offsets = [0, 256], sizes = [5000, 256], strides = [1, 1]} : vector<5000x512xf32> to vector<5000x256xf32>
    %add3A = arith.addf %slice3A, %slice3A_4 : vector<5000x256xf32>
    %mul3A = arith.constant 5.000000e-01 : f32
    %mul3A_5 = vector.broadcast %mul3A : f32 to vector<5000x256xf32>
    %mul3A_6 = arith.mulf %add3A, %mul3A_5 : vector<5000x256xf32>
    %reshape3A_7 = vector.shape_cast %mul3A_6 : vector<5000x256xf32> to vector<2500x512xf32>
    %slice3A_8 = vector.extract_strided_slice %reshape3A_7 {offsets = [0, 0], sizes = [2500, 256], strides = [1, 1]} : vector<2500x512xf32> to vector<2500x256xf32>
    %slice3A_9 = vector.extract_strided_slice %reshape3A_7 {offsets = [0, 256], sizes = [2500, 256], strides = [1, 1]} : vector<2500x512xf32> to vector<2500x256xf32>
    %add3A_10 = arith.addf %slice3A_8, %slice3A_9 : vector<2500x256xf32>
    %mul3A_11 = arith.constant 5.000000e-01 : f32
    %mul3A_12 = vector.broadcast %mul3A_11 : f32 to vector<2500x256xf32>
    %mul3A_13 = arith.mulf %add3A_10, %mul3A_12 : vector<2500x256xf32>
    %reshape3A_14 = vector.shape_cast %mul3A_13 : vector<2500x256xf32> to vector<1250x512xf32>
    %slice3A_15 = vector.extract_strided_slice %reshape3A_14 {offsets = [0, 0], sizes = [1250, 256], strides = [1, 1]} : vector<1250x512xf32> to vector<1250x256xf32>
    %slice3A_16 = vector.extract_strided_slice %reshape3A_14 {offsets = [0, 256], sizes = [1250, 256], strides = [1, 1]} : vector<1250x512xf32> to vector<1250x256xf32>
    %add3A_17 = arith.addf %slice3A_15, %slice3A_16 : vector<1250x256xf32>
    %mul3A_18 = arith.constant 5.000000e-01 : f32
    %mul3A_19 = vector.broadcast %mul3A_18 : f32 to vector<1250x256xf32>
    %mul3A_20 = arith.mulf %add3A_17, %mul3A_19 : vector<1250x256xf32>
    %reshape3A_21 = vector.shape_cast %mul3A_20 : vector<1250x256xf32> to vector<625x512xf32>
    %slice3A_22 = vector.extract_strided_slice %reshape3A_21 {offsets = [0, 0], sizes = [625, 256], strides = [1, 1]} : vector<625x512xf32> to vector<625x256xf32>
    %slice3A_23 = vector.extract_strided_slice %reshape3A_21 {offsets = [0, 256], sizes = [625, 256], strides = [1, 1]} : vector<625x512xf32> to vector<625x256xf32>
    %add3A_24 = arith.addf %slice3A_22, %slice3A_23 : vector<625x256xf32>
    %mul3A_25 = arith.constant 5.000000e-01 : f32
    %mul3A_26 = vector.broadcast %mul3A_25 : f32 to vector<625x256xf32>
    %mul3A_27 = arith.mulf %add3A_24, %mul3A_26 : vector<625x256xf32>
    %swap3A_28 = arith.constant 0 : index
    %swap3A_29 = arith.constant 0 : index
    %swap3A_30 = vector.load %arg2[%swap3A_28, %swap3A_29] : memref<5000x256xf32, #tpu.memory_space<vmem>>, vector<5000x256xf32>
    tpu.vector_store %arg2[%swap3A_28, %swap3A_29], %mul3A_6 {strides = array<i32>} : memref<5000x256xf32, #tpu.memory_space<vmem>>, vector<5000x256xf32>,
    %swap3A_31 = arith.constant 0 : index
    %swap3A_32 = arith.constant 0 : index
    %swap3A_33 = vector.load %arg3[%swap3A_31, %swap3A_32] : memref<2500x256xf32, #tpu.memory_space<vmem>>, vector<2500x256xf32>
    tpu.vector_store %arg3[%swap3A_31, %swap3A_32], %mul3A_13 {strides = array<i32>} : memref<2500x256xf32, #tpu.memory_space<vmem>>, vector<2500x256xf32>,
    %swap3A_34 = arith.constant 0 : index
    %swap3A_35 = arith.constant 0 : index
    %swap3A_36 = vector.load %arg4[%swap3A_34, %swap3A_35] : memref<1250x256xf32, #tpu.memory_space<vmem>>, vector<1250x256xf32>
    tpu.vector_store %arg4[%swap3A_34, %swap3A_35], %mul3A_20 {strides = array<i32>} : memref<1250x256xf32, #tpu.memory_space<vmem>>, vector<1250x256xf32>,
    %swap3A_37 = arith.constant 0 : index
    %swap3A_38 = arith.constant 0 : index
    %swap3A_39 = vector.load %arg5[%swap3A_37, %swap3A_38] : memref<625x256xf32, #tpu.memory_space<vmem>>, vector<625x256xf32>
    tpu.vector_store %arg5[%swap3A_37, %swap3A_38], %mul3A_27 {strides = array<i32>} : memref<625x256xf32, #tpu.memory_space<vmem>>, vector<625x256xf32>,
    return
  }
}

</mosaic_0001>

<sc_bundles>
// kernel: kernel.4.cloned.1.call-start
scs
__scs_entry_jumppad:
0x0: {  	(pc) =	sbr.rel $0x88, $3  }
0x1: {  	(tag) =	ssettag $0x0;
	lr =	simm.s32 $0x1  }
0x2: {  	[smem:$0x3F9F] =	sst lr;
	_ =	strace $0xD0000000  }
0x3: {  	_ = 	snop  }
0x4: {  	_ = 	snop  }
0x5: {  	_ = 	snop  }
0x6: {  	_ = 	snop  }
0x7: {  	_ = 	snop  }
__scs_overlays_trampoline_lowered:
0x8: {  	[smem:$0x3FAE] =	sst s0  }
0x9: {  	[smem:$0x3FAF] =	sst s1  }
0xa: {  	[smem:$0x3FB0] =	sst s2  }
0xb: {  	[smem:$0x3FB1] =	sst s3  }
0xc: {  	[smem:$0x3FB2] =	sst s4  }
0xd: {  	[smem:$0x3FB3] =	sst s5  }
0xe: {  	[smem:$0x3FB4] =	sst s6  }
0xf: {  	[smem:$0x3FB5] =	sst s7  }
0x10: {  	[smem:$0x3FB6] =	sst s8  }
0x11: {  	[smem:$0x3FB7] =	sst s9;
	s0 =	simm.s32 @!p0 $0x0  }
0x12: {  	s1 =	sld [smem:$0x3F9D];
	s0 =	simm.s32 @p0 $0x1  }
0x13: {  	[smem:$0x3FB8] =	sst s0;
	s0 =	simm.s32 @!p1 $0x0  }
0x14: {  	s2 =	sld [smem:$0x3F9C];
	s0 =	simm.s32 @p1 $0x1  }
0x15: {  	[smem:$0x3FB9] =	sst s0;
	s0 =	simm.s32 @!p2 $0x0  }
0x16: {  	s3 =	sld [smem:$0x3FDB];
	s0 =	simm.s32 @p2 $0x1  }
0x17: {  	s4 =	simm.s32 $0x1BF5;
	[smem:$0x3FBB] =	sst s0  }
0x18: {  	s0 =	sld [smem:$0x3F9E];
	_ =	swait.ge [sflag:s4], $0x0  }
0x19: {  	s7 =	sld [smem:$0x3F9F]  }
0x1a: {  	s8 =	sadd.s32 $0xFFFFE003, lr  }
0x1b: {  	s9 =	sadd.s32 $0xFFFFFEF7, lr;
	s5 =	simm.s32 $0xFFFFFFFF;
	p2 =	slt.u32 s8, $0xFFFFF086  }
0x1c: {  	p1 =	slt.u32 s9, $0xF7A;
	s5 =	simm.s32 @!p2 $0x0  }
0x1d: {  	s5 =	simm.s32 @p1 $0x1;
	p0 =	seq.s32 s7, s2  }
0x1e: {  	s7 =	smul.u32 @!p0 $0xF7A, s2;
	p2 =	seq.s32 @!p0 s5, $0x0  }
0x1f: {  	s9 =	smul.u32 $0xF7A, s1;
	s8 =	simm.s32 @!p0 $0x1BF5;
	p2 =	por !p2, p0  }
0x20: {  	[sflag:s8] =	ssyncset.s32 @!p0 $0xFFFFF086;
	s6 =	sadd.s32 @!p0 s3, s7;
	s7 =	simm.s32 @!p0 $0x108  }
0x21: {  	s3 =	sadd.s32 s3, s9;
	s6 =	sadd.s32 @!p0 $0x88, s6;
	s7 =	simm.s32 @p2 $0x1082  }
0x22: {  	[simem:s7], [sflag:s8] =	dma.local @!p0 [hbm:s6], $0xF7A  }
0x23: {  	s9 =	sor.u32 $0xD0000000, s2;
	s6 =	simm.s32 $0x108;
	_ =	swait.ge @!p0 [sflag:s8], $0x0  }
0x24: {  	s3 =	sadd.s32 $0x88, s3;
	s6 =	simm.s32 @!p1 $0x1082;
	[sflag:s4] =	ssyncset.s32 $0xFFFFF086  }
0x25: {  	[simem:s6], [sflag:s4] =	dma.local [hbm:s3], $0xF7A  }
0x26: {  	[smem:$0x3F9F] =	sst s1;
	(tag) =	ssettag s2;
	_ =	strace s9  }
0x27: {  	s1 =	sld [smem:$0x3FAF]  }
0x28: {  	s2 =	sld [smem:$0x3FB0]  }
0x29: {  	s4 =	sld [smem:$0x3FB2]  }
0x2a: {  	p0 =	seq.s32 s5, $0x0;
	s5 =	sld [smem:$0x3FB3]  }
0x2b: {  	s6 =	sld [smem:$0x3FB4]  }
0x2c: {  	s7 =	sld [smem:$0x3FB5]  }
0x2d: {  	s3 =	simm.s32 $0x108;
	s8 =	sld [smem:$0x3FB6]  }
0x2e: {  	s3 =	simm.s32 @!p0 $0x1082;
	s9 =	sld [smem:$0x3FB7]  }
0x2f: {  	lr =	sadd.s32 s0, s3;
	s0 =	sld [smem:$0x3FAE]  }
0x30: {  	s3 =	sld [smem:$0x3FB1]  }
0x31: {  	[smem:$0x3FBA] =	sst s10  }
0x32: {  	s10 =	sld [smem:$0x3FB8];
	_ =	sdelay $0x3  }
0x33: {  	p0 =	seq.s32 s10, $0x1;
	s10 =	sld [smem:$0x3FBA];
	_ =	sdelay $0x3  }
0x34: {  	[smem:$0x3FBA] =	sst s10  }
0x35: {  	s10 =	sld [smem:$0x3FB9];
	_ =	sdelay $0x3  }
0x36: {  	p1 =	seq.s32 s10, $0x1;
	s10 =	sld [smem:$0x3FBA];
	_ =	sdelay $0x3  }
0x37: {  	[smem:$0x3FBA] =	sst s10  }
0x38: {  	s10 =	sld [smem:$0x3FBB]  }
0x39: {  	_ = 	snop;
	(pc) =	sbr.ind lr, $3  }
0x3a: {  	_ = 	snop  }
0x3b: {  	_ = 	snop  }
0x3c: {  	p2 =	seq.s32 s10, $0x1;
	s10 =	sld [smem:$0x3FBA]  }
0x3d: {  	_ =	shalt  }
0x3e: {  	_ =	shalt  }
0x3f: {  	_ =	shalt  }
0x40: {  	_ =	shalt  }
0x41: {  	_ =	shalt  }
0x42: {  	_ =	shalt  }
0x43: {  	_ =	shalt  }
0x44: {  	_ =	shalt  }
0x45: {  	_ =	shalt  }
0x46: {  	_ =	shalt  }
0x47: {  	_ =	shalt  }
0x48: {  	_ =	shalt  }
0x49: {  	_ =	shalt  }
0x4a: {  	_ =	shalt  }
0x4b: {  	_ =	shalt  }
0x4c: {  	_ =	shalt  }
0x4d: {  	_ =	shalt  }
0x4e: {  	_ =	shalt  }
0x4f: {  	_ =	shalt  }
0x50: {  	_ =	shalt  }
0x51: {  	_ =	shalt  }
0x52: {  	_ =	shalt  }
0x53: {  	_ =	shalt  }
0x54: {  	_ =	shalt  }
0x55: {  	_ =	shalt  }
0x56: {  	_ =	shalt  }
0x57: {  	_ =	shalt  }
0x58: {  	_ =	shalt  }
0x59: {  	_ =	shalt  }
0x5a: {  	_ =	shalt  }
0x5b: {  	_ =	shalt  }
0x5c: {  	_ =	shalt  }
0x5d: {  	_ =	shalt  }
0x5e: {  	_ =	shalt  }
0x5f: {  	_ =	shalt  }
0x60: {  	_ =	shalt  }
0x61: {  	_ =	shalt  }
0x62: {  	_ =	shalt  }
0x63: {  	_ =	shalt  }
0x64: {  	_ =	shalt  }
0x65: {  	_ =	shalt  }
0x66: {  	_ =	shalt  }
0x67: {  	_ =	shalt  }
0x68: {  	_ =	shalt  }
0x69: {  	_ =	shalt  }
0x6a: {  	_ =	shalt  }
0x6b: {  	_ =	shalt  }
0x6c: {  	_ =	shalt  }
0x6d: {  	_ =	shalt  }
0x6e: {  	_ =	shalt  }
0x6f: {  	_ =	shalt  }
0x70: {  	_ =	shalt  }
0x71: {  	_ =	shalt  }
0x72: {  	_ =	shalt  }
0x73: {  	_ =	shalt  }
0x74: {  	_ =	shalt  }
0x75: {  	_ =	shalt  }
0x76: {  	_ =	shalt  }
0x77: {  	_ =	shalt  }
0x78: {  	_ =	shalt  }
0x79: {  	_ =	shalt  }
0x7a: {  	_ =	shalt  }
0x7b: {  	_ =	shalt  }
0x7c: {  	_ =	shalt  }
0x7d: {  	_ =	shalt  }
0x7e: {  	_ =	shalt  }
0x7f: {  	_ =	shalt  }
0x80: {  	_ =	shalt  }
0x81: {  	_ =	shalt  }
0x82: {  	_ =	shalt  }
0x83: {  	_ =	shalt  }
0x84: {  	_ =	shalt  }
0x85: {  	_ =	shalt  }
0x86: {  	_ =	shalt  }
0x87: {  	_ =	shalt  }
.Lfunc_end0:
.L_simem_size_0:
called_computation_lowered:
.L_overlay_start_0:
0x88: {  	s2 =	sld [smem:$0x3FD9]  }
0x89: {  	s3 =	sld [smem:$0x3FFE];
	_ =	sdelay $0x1  }
0x8a: {  	s1 =	srdreg.scid  }
0x8b: {  	s0 =	sand.u32 $0x1, s1  }
0x8c: {  	s15 =	sshll.u32 s0, $0xA;
	s2 =	sadd.s32 s3, s2  }
0x8d: {  	s2 =	sadd.s32 s2, s15  }
0x8e: {  	[smem:$0x3FC6] =	sst s2  }
0x8f: {  	_ = 	snop  }
0x90: {  	s2 =	sld [smem:$0x3FD0];
	_ =	sdelay $0x2  }
0x91: {  	s4 =	simm.s32 $0xA;
	s5 =	simm.s32 $0x10;
	s16 =	sld [smem:$0x3FC8]  }
0x92: {  	[smem:s5], [sflag:s4] =	dma.local [hbm:s2], $0x1  }
0x93: {  	_ =	swait.eq [sflag:s4], $0x1  }
0x94: {  	s6 =	sld [smem:$0x15];
	[sflag:s4] =	ssyncset.done $0x0  }
0x95: {  	s7 =	sld [smem:$0x16];
	[sflag:s4] =	ssyncadd.s32 $0xFFFFFFFF  }
0x96: {  	s2 =	sadd.s32 $0x1, s2;
	s8 =	sld [smem:$0x17]  }
0x97: {  	[smem:s5], [sflag:s4] =	dma.local [hbm:s2], $0x1  }
0x98: {  	_ =	swait.eq [sflag:s4], $0x1  }
0x99: {  	[sflag:s4] =	ssyncset.done $0x0  }
0x9a: {  	s17 =	sld [smem:$0x10];
	[sflag:s4] =	ssyncadd.s32 $0xFFFFFFFF  }
0x9b: {  	s18 =	sld [smem:$0x11];
	(tm) =	ssettm $0x1  }
0x9c: {  	s19 =	sld [smem:$0x3FFB];
	_ =	sdelay $0x3  }
0x9d: {  	_ =	strace s19  }
0x9e: {  	s5 =	sld [smem:$0x3FFC];
	_ =	sdelay $0x3  }
0x9f: {  	_ =	strace s5  }
0xa0: {  	s5 =	sld [smem:$0x3FFD];
	_ =	sdelay $0x3  }
0xa1: {  	_ =	strace s5  }
0xa2: {  	_ =	strace $0x8FFFFFFF  }
0xa3: {  	s20 =	sld [smem:$0x3FDB];
	_ =	sdelay $0x1  }
0xa4: {  	s9 =	simm.s32 $_scs_section_size  }
0xa5: {  	s10 =	simm.s32 $_size__tile_overlayer_lowered;
	s11 =	simm.s32 $_tile_overlayer_lowered  }
0xa6: {  	s23 =	simm.s32 $0x1BFF;
	s22 =	sshll.u32 s11, $0x1;
	s5 =	sadd.s32 s9, s20  }
0xa7: {  	s12 =	simm.s32 $0x0;
	s21 =	sshll.u32 s10, $0x1;
	s10 =	sadd.s32 s22, s5  }
0xa8: {  	[timem:s12], [sflag:s23] =	dma.local [hbm:s10], s21  }
0xa9: {  	_ =	swait.ge [sflag:s23], s21  }
0xaa: {  	s9 =	ssub.s32 $0x0, s21;
	[sflag:s23] =	ssyncset.done $0x0  }
0xab: {  	[sflag:s23] =	ssyncadd.s32 s9;
	_ =	sdelay $0x1  }
0xac: {  	s24 =	simm.s32 $0x1B8B  }
0xad: {  	_ =	swait.ge [sflag:s24], $0x1  }
0xae: {  	[sflag:s24] =	ssyncset.done $0x0  }
0xaf: {  	s25 =	simm.s32 $0x1B8E;
	[sflag:s24] =	ssyncadd.s32 $0xFFFFFFFF  }
0xb0: {  	s26 =	simm.s32 $execute0_lowered;
	[smem:$0x3FD2] =	sst s25  }
0xb1: {  	s9 =	sshll.u32 s26, $0x1;
	_ =	strace $0x80000046;
	[dreg:$0x1] =	wrdreg $0xFFFFFFFF  }
0xb2: {  	s28 =	simm.s32 $_size_execute0_lowered;
	s5 =	sadd.s32 s5, s9;
	[dreg:$0x0] =	wrdreg $0x0  }
0xb3: {  	s9 =	sshll.u32 s28, $0x1;
	[dreg:$0x2] =	wrdreg s5  }
0xb4: {  	[dreg:$0x3] =	wrdreg s9  }
0xb5: {  	[dreg:$0x4] =	wrdreg $0xC0  }
0xb6: {  	_ =	task [dreg:s12], $0x5FFFF  }
0xb7: {  	[dreg:$0x1] =	wrdreg $0xFFFFFFFF  }
0xb8: {  	[dreg:$0x0] =	wrdreg $0x60  }
0xb9: {  	[dreg:$0x2] =	wrdreg s16  }
0xba: {  	[dreg:$0x3] =	wrdreg s6  }
0xbb: {  	[dreg:$0x4] =	wrdreg s7  }
0xbc: {  	[dreg:$0x5] =	wrdreg s8  }
0xbd: {  	[dreg:$0x6] =	wrdreg s17  }
0xbe: {  	[dreg:$0x7] =	wrdreg s18  }
0xbf: {  	[dreg:$0x8] =	wrdreg $0x9  }
0xc0: {  	_ =	task.clear_ibuf [dreg:s12], $0x9FFFF;
	_ =	strace $0x90000046  }
0xc1: {  	s29 =	simm.s32 $0x9;
	_ =	strace $0x80000048  }
0xc2: {  	_ =	swait.ge [sflag:s29], $0x1  }
0xc3: {  	[sflag:s29] =	ssyncadd.s32 $0xFFFFFFFF  }
0xc4: {  	_ =	strace $0x90000048  }
0xc5: {  	_ =	sfence  }
0xc6: {  	s30 =	sld [smem:$0x0];
	_ =	sdelay $0x2  }
0xc7: {  	s31 =	sshll.u32 s1, $0xD;
	s1 =	sshrl.u32 s1, $0x2  }
0xc8: {  	s3 =	sand.u32 $0x4000, s31;
	s1 =	sadd.s32 s1, s30  }
0xc9: {  	s0 =	sor.u32 s3, s0;
	s1 =	sshll.u32 s1, $0x11  }
0xca: {  	s0 =	sor.u32 s1, s0  }
0xcb: {  	s0 =	sadd.s32 $0x8F2B, s0  }
0xcc: {  	[sflag:s0] =	ssyncadd.remote.s32 $0x1  }
0xcd: {  	_ =	sfence.sel $0xFFFF  }
0xce: {  	[dreg:$0x0] =	wrdreg $0xFFFFFFFF;
	(pc) =	sbr.abs _section_cstart, $3  }
0xcf: {  	[dreg:$0x1] =	wrdreg $0xFFFFFFFF  }
0xd0: {  	_ =	task.clear_ibuf [dreg:s12], $0x2FFFF;
	_ =	strace $0x9FFFFFFF  }
0xd1: {  	(tm) =	ssettm $0x7FFFFFFF  }
tec
execute0_lowered:
.L_overlay_start_1:
0x0: {  	(tag) =	ssettag $0x1  }
0x1: {  	s1 =	srdreg.scid;
	s0 =	stileid.u32  }
0x2: {  	s8 =	rddreg [dreg:$0x0];
	s9 =	sand.u32 $0x1, s1;
	s10 =	sshll.u32 s0, $0x1  }
0x3: {  	s3 =	rddreg [dreg:$0x1];
	s10 =	sor.u32 s9, s10  }
0x4: {  	s4 =	rddreg [dreg:$0x2];
	p0 =	sgt.u32 s10, $0x18  }
.Ltmp0:
0x5: {  	s5 =	rddreg [dreg:$0x3];
	(pc) =	sbr.rel @p0 .LBB2_7-.Ltmp0, $4  }
0x6: {  	s6 =	rddreg [dreg:$0x4]  }
0x7: {  	s7 =	rddreg [dreg:$0x5];
	s2 =	simm.s32 $0x0  }
0x8: {  	[smem:$0x7FF] =	sst s2  }
0x9: {  	s1 =	rddreg [dreg:$0x6];
	_ =	strace $0x80000047  }
0xa: {  	s10 =	smul.u32 $0x640, s10;
	s9 =	ssub.s32 $0x2, s9;
	s12 =	simm.s32 $0x6400  }
0xb: {  	s13 =	simm.s32 $0x9600;
	s14 =	simm.s32 $0xC800;
	s15 =	simm.s32 $0x0  }
0xc: {  	s22 =	simm.s32 $0x64F0;
	s11 =	sshrl.u32 s9, $0x1;
	s3 =	sadd.s32 s3, s10  }
0xd: {  	s4 =	sadd.s32 s4, s10;
	s5 =	sadd.s32 s5, s10;
	s6 =	sadd.s32 s6, s10  }
0xe: {  	s9 =	ssub.s32 s9, s11;
	s7 =	sadd.s32 s7, s10;
	s8 =	sadd.s32 s8, s10  }
0xf: {  	s10 =	simm.s32 $0x1;
	s11 =	simm.s32 $0x3200;
	s9 =	smax.u32 s9, $0x1  }
.LBB2_2:
0x10: {  	[tilespmem:s2], [sflag:$0x1] =	stream.linear.gather [hbm4b:s8+s2], $0x3200, $0x38;
	[tilespmem:$0xFA00] =	vst v63  }
0x11: {  	_ =	swait.ge [sflag:s10], $0x3200  }
0x12: {  	[sflag:s10] =	ssyncset.done $0x0  }
0x13: {  	s18 =	simm.s32 $0x40;
	[sflag:s10] =	ssyncadd.s32 $0xFFFFCE00  }
0x14: {  	v0 =	vld [tilespmem:s18+$0xFFFFFFC0];
	_ =	sdelay $0x4  }
0x15: {  	s19 =	simm.s32 $0x3240;
	v1 =	vshra.s32 v0, $0x1  }
0x16: {  	s16 =	simm.s32 $0x6440;
	[tilespmem:s19+$0xFFFFFFC0] =	vst v1;
	v1 =	vshra.s32 v0, $0x2  }
0x17: {  	s25 =	simm.s32 $0x9640;
	[tilespmem:s16+$0xFFFFFFC0] =	vst v1;
	v1 =	vshra.s32 v0, $0x3  }
0x18: {  	s23 =	simm.s32 $0xC840;
	v0 =	vshra.s32 v0, $0x4;
	[tilespmem:s25+$0xFFFFFFC0] =	vst v1  }
0x19: {  	[tilespmem:s23+$0xFFFFFFC0] =	vst v0  }
0x1a: {  	v0 =	vld [tilespmem:s18+$0xFFFFFFD0];
	_ =	sdelay $0x4  }
0x1b: {  	v1 =	vshra.s32 v0, $0x1  }
0x1c: {  	[tilespmem:s19+$0xFFFFFFD0] =	vst v1;
	v1 =	vshra.s32 v0, $0x2  }
0x1d: {  	[tilespmem:s16+$0xFFFFFFD0] =	vst v1;
	v1 =	vshra.s32 v0, $0x3  }
0x1e: {  	v0 =	vshra.s32 v0, $0x4;
	[tilespmem:s25+$0xFFFFFFD0] =	vst v1  }
0x1f: {  	[tilespmem:s23+$0xFFFFFFD0] =	vst v0  }
0x20: {  	v0 =	vld [tilespmem:s18+$0xFFFFFFE0];
	_ =	sdelay $0x4  }
0x21: {  	v1 =	vshra.s32 v0, $0x1  }
0x22: {  	[tilespmem:s19+$0xFFFFFFE0] =	vst v1;
	v1 =	vshra.s32 v0, $0x2  }
0x23: {  	[tilespmem:s16+$0xFFFFFFE0] =	vst v1;
	v1 =	vshra.s32 v0, $0x3  }
0x24: {  	v0 =	vshra.s32 v0, $0x4;
	[tilespmem:s25+$0xFFFFFFE0] =	vst v1  }
0x25: {  	[tilespmem:s23+$0xFFFFFFE0] =	vst v0  }
0x26: {  	v0 =	vld [tilespmem:s18+$0xFFFFFFF0];
	_ =	sdelay $0x4  }
0x27: {  	v1 =	vshra.s32 v0, $0x1  }
0x28: {  	[tilespmem:s19+$0xFFFFFFF0] =	vst v1;
	v1 =	vshra.s32 v0, $0x2  }
0x29: {  	[tilespmem:s16+$0xFFFFFFF0] =	vst v1;
	v1 =	vshra.s32 v0, $0x3  }
0x2a: {  	v0 =	vshra.s32 v0, $0x4;
	[tilespmem:s25+$0xFFFFFFF0] =	vst v1  }
0x2b: {  	[tilespmem:s23+$0xFFFFFFF0] =	vst v0  }
0x2c: {  	v0 =	vld [tilespmem:s18+$0x0];
	_ =	sdelay $0x4  }
0x2d: {  	v1 =	vshra.s32 v0, $0x1  }
0x2e: {  	[tilespmem:s19+$0x0] =	vst v1;
	v1 =	vshra.s32 v0, $0x2  }
0x2f: {  	[tilespmem:s16+$0x0] =	vst v1;
	v1 =	vshra.s32 v0, $0x3  }
0x30: {  	v0 =	vshra.s32 v0, $0x4;
	[tilespmem:s25+$0x0] =	vst v1  }
0x31: {  	[tilespmem:s23+$0x0] =	vst v0  }
0x32: {  	v0 =	vld [tilespmem:s18+$0x10];
	_ =	sdelay $0x4  }
0x33: {  	v1 =	vshra.s32 v0, $0x1  }
0x34: {  	[tilespmem:s19+$0x10] =	vst v1;
	v1 =	vshra.s32 v0, $0x2  }
0x35: {  	[tilespmem:s16+$0x10] =	vst v1;
	v1 =	vshra.s32 v0, $0x3  }
0x36: {  	v0 =	vshra.s32 v0, $0x4;
	[tilespmem:s25+$0x10] =	vst v1  }
0x37: {  	[tilespmem:s23+$0x10] =	vst v0  }
0x38: {  	v0 =	vld [tilespmem:s18+$0x20];
	_ =	sdelay $0x4  }
0x39: {  	v1 =	vshra.s32 v0, $0x1  }
0x3a: {  	[tilespmem:s19+$0x20] =	vst v1;
	v1 =	vshra.s32 v0, $0x2  }
0x3b: {  	[tilespmem:s16+$0x20] =	vst v1;
	v1 =	vshra.s32 v0, $0x3  }
0x3c: {  	v0 =	vshra.s32 v0, $0x4;
	[tilespmem:s25+$0x20] =	vst v1  }
0x3d: {  	[tilespmem:s23+$0x20] =	vst v0  }
0x3e: {  	v0 =	vld [tilespmem:s18+$0x30];
	_ =	sdelay $0x4  }
0x3f: {  	v1 =	vshra.s32 v0, $0x1  }
0x40: {  	s24 =	simm.s32 $0x0;
	s20 =	simm.s32 $0x32F0;
	[tilespmem:s19+$0x30] =	vst v1;
	v1 =	vshra.s32 v0, $0x2  }
0x41: {  	s21 =	simm.s32 $0xF0;
	s17 =	simm.s32 $0x96F0;
	s26 =	simm.s32 $0x9740;
	[tilespmem:s16+$0x30] =	vst v1;
	v1 =	vshra.s32 v0, $0x3  }
0x42: {  	s28 =	simm.s32 $0xC940;
	s16 =	simm.s32 $0xC8F0;
	v0 =	vshra.s32 v0, $0x4;
	[tilespmem:s25+$0x30] =	vst v1;
	s25 =	simm.s32 $0x6540  }
.LBB2_3:
0x43: {  	s24 =	sadd.s32 $0x8, s24;
	[tilespmem:s23+$0x30] =	vst v0;
	s18 =	sadd.s32 $0x100, s18;
	s19 =	sadd.s32 $0x100, s19  }
0x44: {  	s23 =	smov.u32 s28;
	v0 =	vld [tilespmem:s18+$0xFFFFFFC0];
	p0 =	slt.u32 s24, $0x188;
	_ =	sdelay $0x4  }
0x45: {  	v1 =	vshra.s32 v0, $0x1  }
0x46: {  	[tilespmem:s19+$0xFFFFFFC0] =	vst v1;
	v1 =	vshra.s32 v0, $0x2  }
0x47: {  	[tilespmem:s25+$0xFFFFFFC0] =	vst v1;
	v1 =	vshra.s32 v0, $0x3  }
0x48: {  	v0 =	vshra.s32 v0, $0x4;
	[tilespmem:s26+$0xFFFFFFC0] =	vst v1  }
0x49: {  	[tilespmem:s28+$0xFFFFFFC0] =	vst v0  }
0x4a: {  	v0 =	vld [tilespmem:s18+$0xFFFFFFD0];
	_ =	sdelay $0x4  }
0x4b: {  	v1 =	vshra.s32 v0, $0x1  }
0x4c: {  	[tilespmem:s19+$0xFFFFFFD0] =	vst v1;
	v1 =	vshra.s32 v0, $0x2  }
0x4d: {  	[tilespmem:s25+$0xFFFFFFD0] =	vst v1;
	v1 =	vshra.s32 v0, $0x3  }
0x4e: {  	v0 =	vshra.s32 v0, $0x4;
	[tilespmem:s26+$0xFFFFFFD0] =	vst v1  }
0x4f: {  	[tilespmem:s28+$0xFFFFFFD0] =	vst v0  }
0x50: {  	v0 =	vld [tilespmem:s18+$0xFFFFFFE0];
	_ =	sdelay $0x4  }
0x51: {  	v1 =	vshra.s32 v0, $0x1  }
0x52: {  	[tilespmem:s19+$0xFFFFFFE0] =	vst v1;
	v1 =	vshra.s32 v0, $0x2  }
0x53: {  	[tilespmem:s25+$0xFFFFFFE0] =	vst v1;
	v1 =	vshra.s32 v0, $0x3  }
0x54: {  	v0 =	vshra.s32 v0, $0x4;
	[tilespmem:s26+$0xFFFFFFE0] =	vst v1  }
0x55: {  	[tilespmem:s28+$0xFFFFFFE0] =	vst v0  }
0x56: {  	v0 =	vld [tilespmem:s18+$0xFFFFFFF0];
	_ =	sdelay $0x4  }
0x57: {  	v1 =	vshra.s32 v0, $0x1  }
0x58: {  	[tilespmem:s19+$0xFFFFFFF0] =	vst v1;
	v1 =	vshra.s32 v0, $0x2  }
0x59: {  	[tilespmem:s25+$0xFFFFFFF0] =	vst v1;
	v1 =	vshra.s32 v0, $0x3  }
0x5a: {  	v0 =	vshra.s32 v0, $0x4;
	[tilespmem:s26+$0xFFFFFFF0] =	vst v1  }
0x5b: {  	[tilespmem:s28+$0xFFFFFFF0] =	vst v0  }
0x5c: {  	v0 =	vld [tilespmem:s18+$0x0];
	_ =	sdelay $0x4  }
0x5d: {  	v1 =	vshra.s32 v0, $0x1  }
0x5e: {  	[tilespmem:s19+$0x0] =	vst v1;
	v1 =	vshra.s32 v0, $0x2  }
0x5f: {  	[tilespmem:s25+$0x0] =	vst v1;
	v1 =	vshra.s32 v0, $0x3  }
0x60: {  	v0 =	vshra.s32 v0, $0x4;
	[tilespmem:s26+$0x0] =	vst v1  }
0x61: {  	[tilespmem:s28+$0x0] =	vst v0  }
0x62: {  	v0 =	vld [tilespmem:s18+$0x10];
	_ =	sdelay $0x4  }
0x63: {  	v1 =	vshra.s32 v0, $0x1  }
0x64: {  	[tilespmem:s19+$0x10] =	vst v1;
	v1 =	vshra.s32 v0, $0x2  }
0x65: {  	[tilespmem:s25+$0x10] =	vst v1;
	v1 =	vshra.s32 v0, $0x3  }
0x66: {  	v0 =	vshra.s32 v0, $0x4;
	[tilespmem:s26+$0x10] =	vst v1  }
0x67: {  	[tilespmem:s28+$0x10] =	vst v0  }
0x68: {  	v0 =	vld [tilespmem:s18+$0x20];
	_ =	sdelay $0x4  }
0x69: {  	v1 =	vshra.s32 v0, $0x1  }
0x6a: {  	[tilespmem:s19+$0x20] =	vst v1;
	v1 =	vshra.s32 v0, $0x2  }
0x6b: {  	[tilespmem:s25+$0x20] =	vst v1;
	v1 =	vshra.s32 v0, $0x3  }
0x6c: {  	v0 =	vshra.s32 v0, $0x4;
	[tilespmem:s26+$0x20] =	vst v1  }
0x6d: {  	[tilespmem:s28+$0x20] =	vst v0  }
0x6e: {  	v0 =	vld [tilespmem:s18+$0x30];
	_ =	sdelay $0x3  }
.Ltmp1:
0x6f: {  	(pc) =	sbr.rel @p0 .LBB2_3-.Ltmp1, $4  }
0x70: {  	v1 =	vshra.s32 v0, $0x1  }
0x71: {  	[tilespmem:s19+$0x30] =	vst v1;
	v1 =	vshra.s32 v0, $0x2  }
0x72: {  	[tilespmem:s25+$0x30] =	vst v1;
	v1 =	vshra.s32 v0, $0x3  }
0x73: {  	s28 =	sadd.s32 $0x100, s28;
	v0 =	vshra.s32 v0, $0x4;
	s25 =	sadd.s32 $0x100, s25;
	[tilespmem:s26+$0x30] =	vst v1;
	s26 =	sadd.s32 $0x100, s26  }
0x74: {  	[tilespmem:s23+$0x30] =	vst v0  }
0x75: {  	v0 =	vld [tilespmem:s21+$0xFFFFFF90];
	_ =	sdelay $0x4  }
0x76: {  	v1 =	vshra.s32 v0, $0x1  }
0x77: {  	[tilespmem:s20+$0xFFFFFF90] =	vst v1;
	v1 =	vshra.s32 v0, $0x2  }
0x78: {  	[tilespmem:s22+$0xFFFFFF90] =	vst v1;
	v1 =	vshra.s32 v0, $0x3  }
0x79: {  	v0 =	vshra.s32 v0, $0x4;
	[tilespmem:s17+$0xFFFFFF90] =	vst v1  }
0x7a: {  	[tilespmem:s16+$0xFFFFFF90] =	vst v0  }
0x7b: {  	v0 =	vld [tilespmem:s21+$0xFFFFFFA0];
	_ =	sdelay $0x4  }
0x7c: {  	v1 =	vshra.s32 v0, $0x1  }
0x7d: {  	[tilespmem:s20+$0xFFFFFFA0] =	vst v1;
	v1 =	vshra.s32 v0, $0x2  }
0x7e: {  	[tilespmem:s22+$0xFFFFFFA0] =	vst v1;
	v1 =	vshra.s32 v0, $0x3  }
0x7f: {  	v0 =	vshra.s32 v0, $0x4;
	[tilespmem:s17+$0xFFFFFFA0] =	vst v1  }
0x80: {  	[tilespmem:s16+$0xFFFFFFA0] =	vst v0  }
0x81: {  	v0 =	vld [tilespmem:s21+$0xFFFFFFB0];
	_ =	sdelay $0x4  }
0x82: {  	v1 =	vshra.s32 v0, $0x1  }
0x83: {  	[tilespmem:s20+$0xFFFFFFB0] =	vst v1;
	v1 =	vshra.s32 v0, $0x2  }
0x84: {  	[tilespmem:s22+$0xFFFFFFB0] =	vst v1;
	v1 =	vshra.s32 v0, $0x3  }
0x85: {  	v0 =	vshra.s32 v0, $0x4;
	[tilespmem:s17+$0xFFFFFFB0] =	vst v1  }
0x86: {  	[tilespmem:s16+$0xFFFFFFB0] =	vst v0  }
0x87: {  	v0 =	vld [tilespmem:s21+$0xFFFFFFC0];
	_ =	sdelay $0x4  }
0x88: {  	v1 =	vshra.s32 v0, $0x1  }
0x89: {  	[tilespmem:s20+$0xFFFFFFC0] =	vst v1;
	v1 =	vshra.s32 v0, $0x2  }
0x8a: {  	[tilespmem:s22+$0xFFFFFFC0] =	vst v1;
	v1 =	vshra.s32 v0, $0x3  }
0x8b: {  	v0 =	vshra.s32 v0, $0x4;
	[tilespmem:s17+$0xFFFFFFC0] =	vst v1  }
0x8c: {  	[tilespmem:s16+$0xFFFFFFC0] =	vst v0  }
0x8d: {  	v0 =	vld [tilespmem:s21+$0xFFFFFFD0];
	_ =	sdelay $0x4  }
0x8e: {  	v1 =	vshra.s32 v0, $0x1  }
0x8f: {  	[tilespmem:s20+$0xFFFFFFD0] =	vst v1;
	v1 =	vshra.s32 v0, $0x2  }
0x90: {  	[tilespmem:s22+$0xFFFFFFD0] =	vst v1;
	v1 =	vshra.s32 v0, $0x3  }
0x91: {  	v0 =	vshra.s32 v0, $0x4;
	[tilespmem:s17+$0xFFFFFFD0] =	vst v1  }
0x92: {  	[tilespmem:s16+$0xFFFFFFD0] =	vst v0  }
0x93: {  	v0 =	vld [tilespmem:s21+$0xFFFFFFE0];
	_ =	sdelay $0x4  }
0x94: {  	v1 =	vshra.s32 v0, $0x1  }
0x95: {  	[tilespmem:s20+$0xFFFFFFE0] =	vst v1;
	v1 =	vshra.s32 v0, $0x2  }
0x96: {  	[tilespmem:s22+$0xFFFFFFE0] =	vst v1;
	v1 =	vshra.s32 v0, $0x3  }
0x97: {  	v0 =	vshra.s32 v0, $0x4;
	[tilespmem:s17+$0xFFFFFFE0] =	vst v1  }
0x98: {  	[tilespmem:s16+$0xFFFFFFE0] =	vst v0  }
0x99: {  	v0 =	vld [tilespmem:s21+$0xFFFFFFF0];
	_ =	sdelay $0x4  }
0x9a: {  	v1 =	vshra.s32 v0, $0x1  }
0x9b: {  	[tilespmem:s20+$0xFFFFFFF0] =	vst v1;
	v1 =	vshra.s32 v0, $0x2  }
0x9c: {  	[tilespmem:s22+$0xFFFFFFF0] =	vst v1;
	v1 =	vshra.s32 v0, $0x3  }
0x9d: {  	v0 =	vshra.s32 v0, $0x4;
	[tilespmem:s17+$0xFFFFFFF0] =	vst v1  }
0x9e: {  	[tilespmem:s16+$0xFFFFFFF0] =	vst v0  }
0x9f: {  	v0 =	vld [tilespmem:s21+$0x0];
	_ =	sdelay $0x4  }
0xa0: {  	v1 =	vshra.s32 v0, $0x1  }
0xa1: {  	[tilespmem:s20+$0x0] =	vst v1;
	v1 =	vshra.s32 v0, $0x2  }
0xa2: {  	s18 =	simm.s32 $0x0;
	[tilespmem:s22+$0x0] =	vst v1;
	v1 =	vshra.s32 v0, $0x3  }
0xa3: {  	s19 =	simm.s32 $0x65F0;
	s21 =	simm.s32 $0x1F0;
	s20 =	simm.s32 $0x33F0;
	v0 =	vshra.s32 v0, $0x4;
	[tilespmem:s17+$0x0] =	vst v1  }
.LBB2_5:
0xa4: {  	s18 =	sadd.s32 $0x8, s18;
	[tilespmem:s16+$0x0] =	vst v0;
	s16 =	sadd.s32 $0x100, s16;
	s17 =	sadd.s32 $0x100, s17  }
0xa5: {  	v0 =	vld [tilespmem:s21+$0xFFFFFF90];
	p0 =	slt.u32 s18, $0x188;
	_ =	sdelay $0x4  }
0xa6: {  	v1 =	vshra.s32 v0, $0x1  }
0xa7: {  	[tilespmem:s20+$0xFFFFFF90] =	vst v1;
	v1 =	vshra.s32 v0, $0x2  }
0xa8: {  	[tilespmem:s19+$0xFFFFFF90] =	vst v1;
	v1 =	vshra.s32 v0, $0x3  }
0xa9: {  	v0 =	vshra.s32 v0, $0x4;
	[tilespmem:s17+$0xFFFFFF90] =	vst v1  }
0xaa: {  	[tilespmem:s16+$0xFFFFFF90] =	vst v0  }
0xab: {  	v0 =	vld [tilespmem:s21+$0xFFFFFFA0];
	_ =	sdelay $0x4  }
0xac: {  	v1 =	vshra.s32 v0, $0x1  }
0xad: {  	[tilespmem:s20+$0xFFFFFFA0] =	vst v1;
	v1 =	vshra.s32 v0, $0x2  }
0xae: {  	[tilespmem:s19+$0xFFFFFFA0] =	vst v1;
	v1 =	vshra.s32 v0, $0x3  }
0xaf: {  	v0 =	vshra.s32 v0, $0x4;
	[tilespmem:s17+$0xFFFFFFA0] =	vst v1  }
0xb0: {  	[tilespmem:s16+$0xFFFFFFA0] =	vst v0  }
0xb1: {  	v0 =	vld [tilespmem:s21+$0xFFFFFFB0];
	_ =	sdelay $0x4  }
0xb2: {  	v1 =	vshra.s32 v0, $0x1  }
0xb3: {  	[tilespmem:s20+$0xFFFFFFB0] =	vst v1;
	v1 =	vshra.s32 v0, $0x2  }
0xb4: {  	[tilespmem:s19+$0xFFFFFFB0] =	vst v1;
	v1 =	vshra.s32 v0, $0x3  }
0xb5: {  	v0 =	vshra.s32 v0, $0x4;
	[tilespmem:s17+$0xFFFFFFB0] =	vst v1  }
0xb6: {  	[tilespmem:s16+$0xFFFFFFB0] =	vst v0  }
0xb7: {  	v0 =	vld [tilespmem:s21+$0xFFFFFFC0];
	_ =	sdelay $0x4  }
0xb8: {  	v1 =	vshra.s32 v0, $0x1  }
0xb9: {  	[tilespmem:s20+$0xFFFFFFC0] =	vst v1;
	v1 =	vshra.s32 v0, $0x2  }
0xba: {  	[tilespmem:s19+$0xFFFFFFC0] =	vst v1;
	v1 =	vshra.s32 v0, $0x3  }
0xbb: {  	v0 =	vshra.s32 v0, $0x4;
	[tilespmem:s17+$0xFFFFFFC0] =	vst v1  }
0xbc: {  	[tilespmem:s16+$0xFFFFFFC0] =	vst v0  }
0xbd: {  	v0 =	vld [tilespmem:s21+$0xFFFFFFD0];
	_ =	sdelay $0x4  }
0xbe: {  	v1 =	vshra.s32 v0, $0x1  }
0xbf: {  	[tilespmem:s20+$0xFFFFFFD0] =	vst v1;
	v1 =	vshra.s32 v0, $0x2  }
0xc0: {  	[tilespmem:s19+$0xFFFFFFD0] =	vst v1;
	v1 =	vshra.s32 v0, $0x3  }
0xc1: {  	v0 =	vshra.s32 v0, $0x4;
	[tilespmem:s17+$0xFFFFFFD0] =	vst v1  }
0xc2: {  	[tilespmem:s16+$0xFFFFFFD0] =	vst v0  }
0xc3: {  	v0 =	vld [tilespmem:s21+$0xFFFFFFE0];
	_ =	sdelay $0x4  }
0xc4: {  	v1 =	vshra.s32 v0, $0x1  }
0xc5: {  	[tilespmem:s20+$0xFFFFFFE0] =	vst v1;
	v1 =	vshra.s32 v0, $0x2  }
0xc6: {  	[tilespmem:s19+$0xFFFFFFE0] =	vst v1;
	v1 =	vshra.s32 v0, $0x3  }
0xc7: {  	v0 =	vshra.s32 v0, $0x4;
	[tilespmem:s17+$0xFFFFFFE0] =	vst v1  }
0xc8: {  	[tilespmem:s16+$0xFFFFFFE0] =	vst v0  }
0xc9: {  	v0 =	vld [tilespmem:s21+$0xFFFFFFF0];
	_ =	sdelay $0x4  }
0xca: {  	v1 =	vshra.s32 v0, $0x1  }
0xcb: {  	[tilespmem:s20+$0xFFFFFFF0] =	vst v1;
	v1 =	vshra.s32 v0, $0x2  }
0xcc: {  	[tilespmem:s19+$0xFFFFFFF0] =	vst v1;
	v1 =	vshra.s32 v0, $0x3  }
0xcd: {  	v0 =	vshra.s32 v0, $0x4;
	[tilespmem:s17+$0xFFFFFFF0] =	vst v1  }
0xce: {  	[tilespmem:s16+$0xFFFFFFF0] =	vst v0  }
0xcf: {  	v0 =	vld [tilespmem:s21+$0x0];
	_ =	sdelay $0x3  }
.Ltmp2:
0xd0: {  	(pc) =	sbr.rel @p0 .LBB2_5-.Ltmp2, $4  }
0xd1: {  	v1 =	vshra.s32 v0, $0x1  }
0xd2: {  	[tilespmem:s20+$0x0] =	vst v1;
	v1 =	vshra.s32 v0, $0x2  }
0xd3: {  	[tilespmem:s19+$0x0] =	vst v1;
	v1 =	vshra.s32 v0, $0x3  }
0xd4: {  	s21 =	sadd.s32 $0x100, s21;
	s20 =	sadd.s32 $0x100, s20;
	v0 =	vshra.s32 v0, $0x4;
	s19 =	sadd.s32 $0x100, s19;
	[tilespmem:s17+$0x0] =	vst v1  }
0xd5: {  	[tilespmem:s16+$0x0] =	vst v0  }
0xd6: {  	[hbm4b:s3+s2] =	stream.linear.scatter [tilespmem:s2], [sflag:$0x1], $0x3200, $0x38;
	[tilespmem:$0xFA00] =	vst v63  }
0xd7: {  	_ =	swait.ge [sflag:s10], $0x3200  }
0xd8: {  	[sflag:s10] =	ssyncset.done $0x0  }
0xd9: {  	[sflag:s10] =	ssyncadd.s32 $0xFFFFCE00  }
0xda: {  	[hbm4b:s4+s2] =	stream.linear.scatter [tilespmem:s11], [sflag:$0x1], $0x3200, $0x38;
	[tilespmem:$0xFA00] =	vst v63  }
0xdb: {  	_ =	swait.ge [sflag:s10], $0x3200  }
0xdc: {  	[sflag:s10] =	ssyncset.done $0x0  }
0xdd: {  	[sflag:s10] =	ssyncadd.s32 $0xFFFFCE00  }
0xde: {  	[hbm4b:s5+s2] =	stream.linear.scatter [tilespmem:s12], [sflag:$0x1], $0x3200, $0x38;
	[tilespmem:$0xFA00] =	vst v63  }
0xdf: {  	_ =	swait.ge [sflag:s10], $0x3200  }
0xe0: {  	[sflag:s10] =	ssyncset.done $0x0  }
0xe1: {  	[sflag:s10] =	ssyncadd.s32 $0xFFFFCE00  }
0xe2: {  	[hbm4b:s6+s2] =	stream.linear.scatter [tilespmem:s13], [sflag:$0x1], $0x3200, $0x38;
	[tilespmem:$0xFA00] =	vst v63  }
0xe3: {  	s15 =	sadd.s32 $0x1, s15;
	_ =	swait.ge [sflag:s10], $0x3200  }
0xe4: {  	p0 =	sne.s32 s15, s9;
	[sflag:s10] =	ssyncset.done $0x0  }
.Ltmp3:
0xe5: {  	[sflag:s10] =	ssyncadd.s32 $0xFFFFCE00;
	(pc) =	sbr.rel @p0 .LBB2_2-.Ltmp3, $4  }
0xe6: {  	[hbm4b:s7+s2] =	stream.linear.scatter [tilespmem:s14], [sflag:$0x1], $0x3200, $0x38;
	[tilespmem:$0xFA00] =	vst v63  }
0xe7: {  	_ =	swait.ge [sflag:s10], $0x3200  }
0xe8: {  	[sflag:s10] =	ssyncset.done $0x0  }
0xe9: {  	[sflag:s10] =	ssyncadd.s32 $0xFFFFCE00  }
.LBB2_7:
0xea: {  	_ =	sfence.sel $0x180000  }
0xeb: {  	[bflag:$0x0] =	sbarrier.arrive $0xFFFF  }
0xec: {  	p0 =	sne.s32 s0, $0x0;
	_ =	strace $0x90000047  }
0xed: {  	s0 =	sadd.s32 @!p0 $0x100000, s1;
	[bflag:$0x2] =	sbarrier.arrive $0xFFFF  }
0xee: {  	[sflag:s0] =	ssyncadd.tile.s32 @!p0 $0x1;
	_ =	shalt  }
.Lfunc_end2:
_tile_overlayer_lowered:
.L_overlay_start_2:
0xef: {  	(tag) =	ssettag $0x2  }
0xf0: {  	s0 =	rddreg [dreg:$0x0];
	s2 =	stileid.u32  }
0xf1: {  	s1 =	rddreg [dreg:$0x1];
	p0 =	sne.s32 s2, $0x0  }
0xf2: {  	s3 =	rddreg [dreg:$0x2];
	[bflag:$0x3] =	sbarrier.arrive $0xFFFF;
	s2 =	simm.s32 @!p0 $0x1C01  }
0xf3: {  	[timem:s3], [sflag:s2] =	dma.local @!p0 [hbm:s0], s1  }
0xf4: {  	s0 =	simm.s32 @!p0 $0x1  }
0xf5: {  	_ =	swait.ge @!p0 [sflag:s0], s1  }
0xf6: {  	s1 =	ssub.s32 @!p0 $0x0, s1;
	[sflag:s0] =	ssyncset.done @!p0 $0x0  }
0xf7: {  	[sflag:s0] =	ssyncadd.s32 @!p0 s1  }
0xf8: {  	[bflag:$0x3] =	sbarrier.arrive $0xFFFF  }
0xf9: {  	_ =	shalt  }

</sc_bundles>
